<compile_context>
chip_gen: v7x
topology: tpu7x:2x2x1
jax: 0.10.2.dev20260603
libtpu: 0.0.44.dev20260713+nightly
codegen_flags: <defaults>
</compile_context>

<pallas_src>
import functools

import jax
import jax.numpy as jnp
from jax import lax
from jax.experimental import pallas as pl
from jax.experimental.pallas import tpu as pltpu
from jax.experimental.pallas import tpu_sc as plsc

VOCAB = 1010
REPR = 64
BATCH = 16384

NUM_CORES = 2
NUM_SUBCORES = 16
NUM_WORKERS = NUM_CORES * NUM_SUBCORES
BPW = BATCH // NUM_WORKERS
CH = 256
CGROUPS = CH // 16
DUNROLL = 16
DBLOCKS = REPR // DUNROLL


def _rsqrt(x):
    i = plsc.bitcast(x, jnp.int32)
    y = plsc.bitcast(jnp.int32(0x5F3759DF) - (i >> 1), jnp.float32)
    for _ in range(2):
        y = y * (1.5 - 0.5 * x * y * y)
    return y


def _body(
    rept_hbm, idx_hbm, table_hbm, out_hbm,
    idx_v, pair_v, out_v, rows0, rows1, rep0, rep1,
    gsem0, gsem1, rsem0, rsem1,
):
    wid = lax.axis_index("s") * NUM_CORES + lax.axis_index("c")
    base = wid * BPW

    r0 = pltpu.async_copy(rept_hbm.at[:, pl.ds(base, CH)], rep0, rsem0)
    r1 = pltpu.async_copy(rept_hbm.at[:, pl.ds(base + CH, CH)], rep1, rsem1)

    pltpu.sync_copy(idx_hbm.at[pl.ds(base, BPW)], idx_v)

    def halve(g, carry):
        pair_v[pl.ds(g * 16, 16)] = idx_v[pl.ds(g * 16, 16)] >> 1
        return carry

    lax.fori_loop(0, BPW // 16, halve, 0)

    iota16 = lax.iota(jnp.int32, 16)

    def compute(off, rows_v, rep_v):
        def group(g, carry):
            loc = g * 16 + iota16
            half = (idx_v[pl.ds(off + g * 16, 16)] & 1) << 6

            def dblock(db, acc):
                dot, nc, nr = acc
                cbase = iota16 + db * DUNROLL
                for u in range(DUNROLL):
                    col = (cbase + u) & (REPR - 1)
                    c = plsc.load_gather(rows_v, [loc, half + col])
                    r = plsc.load_gather(rep_v, [col, loc])
                    dot = dot + c * r
                    nc = nc + c * c
                    nr = nr + r * r
                return dot, nc, nr

            zero = jnp.zeros((16,), jnp.float32)
            dot, nc, nr = lax.fori_loop(0, DBLOCKS, dblock, (zero, zero, zero))
            inv = _rsqrt(jnp.maximum(nc, 1e-24)) * _rsqrt(jnp.maximum(nr, 1e-24))
            plsc.store_scatter(out_v, [off + loc], 1.0 - dot * inv)
            return carry

        lax.fori_loop(0, CGROUPS, group, 0)

    g0 = pltpu.async_copy(table_hbm.at[pair_v.at[pl.ds(0, CH)]], rows0, gsem0)
    g1 = pltpu.async_copy(table_hbm.at[pair_v.at[pl.ds(CH, CH)]], rows1, gsem1)
    g0.wait()
    r0.wait()
    compute(0, rows0, rep0)
    g1.wait()
    r1.wait()
    compute(CH, rows1, rep1)

    pltpu.sync_copy(out_v, out_hbm.at[pl.ds(base, BPW)])


@jax.jit
def kernel(rep, expr, emb_weight):
    table2 = emb_weight.reshape(VOCAB // 2, 2 * REPR)
    rept = rep.T
    mesh = plsc.VectorSubcoreMesh(core_axis_name="c", subcore_axis_name="s")
    run = functools.partial(
        pl.kernel,
        out_type=jax.ShapeDtypeStruct((BATCH,), jnp.float32),
        mesh=mesh,
        scratch_types=[
            pltpu.VMEM((BPW,), jnp.int32),
            pltpu.VMEM((BPW,), jnp.int32),
            pltpu.VMEM((BPW,), jnp.float32),
            pltpu.VMEM((CH, 2 * REPR), jnp.float32),
            pltpu.VMEM((CH, 2 * REPR), jnp.float32),
            pltpu.VMEM((REPR, CH), jnp.float32),
            pltpu.VMEM((REPR, CH), jnp.float32),
            pltpu.SemaphoreType.DMA,
            pltpu.SemaphoreType.DMA,
            pltpu.SemaphoreType.DMA,
            pltpu.SemaphoreType.DMA,
        ],
        compiler_params=pltpu.CompilerParams(needs_layout_passes=False),
    )(_body)
    return run(rept, expr, table2)

# --- scband reference (transcript-rebuilt; emitter-appended) ---
"""Pipeline reference for scband-objective-32177894982179 (READ-ONLY COPY).

The authoritative reference and input builder live on the scoring server;
editing this copy changes nothing except your own understanding.
"""

import jax, jax.numpy as jnp
import numpy as np

VOCAB = 1010
REPR = 64
BATCH = 16384


def _normalize(x, eps=1e-12):
    n = jnp.linalg.norm(x, ord=2, axis=-1, keepdims=True)
    return x / jnp.maximum(n, eps)


def setup_inputs(seed: int = 0) -> dict:
    key = jax.random.key(seed)
    k1, k2, k3 = jax.random.split(key, 3)
    rep = jax.random.normal(k1, (BATCH, REPR), dtype=jnp.float32)
    expr = jax.random.randint(k2, (BATCH,), 0, 1000, dtype=jnp.int32)
    # nn.Embedding default init: N(0, 1)
    emb_weight = jax.random.normal(k3, (VOCAB, REPR), dtype=jnp.float32)
    return {"rep": rep, "expr": expr, "emb_weight": emb_weight}


def reference(rep, expr, emb_weight):
    # compose: expr is a plain index tensor -> embedding lookup
    comp = jnp.take(emb_weight, expr, axis=0)
    # CosDist: 1 - cosine similarity (F.normalize with eps=1e-12)
    nx = _normalize(comp)
    ny = _normalize(rep)
    return 1.0 - jnp.sum(nx * ny, axis=-1)

if __name__ == "__main__":
    import jax
    _d = setup_inputs()
    print(jax.jit(kernel)(*tuple(_d.values())))

</pallas_src>

<mosaic_0001>
#map = affine_map<(d0, d1) -> (0, 0)>
#map1 = affine_map<(d0, d1) -> (0)>
module attributes {stable_mosaic.version = 14 : i64} {
  func.func @_body(%arg0: i32, %arg1: i32, %arg2: memref<64x16384xf32, #tpu.memory_space<hbm>>, %arg3: memref<16384xi32, #tpu.memory_space<hbm>>, %arg4: memref<505x128xf32, #tpu.memory_space<hbm>>, %arg5: memref<16384xf32, #tpu.memory_space<hbm>>, %arg6: memref<512xi32, #tpu.memory_space<vmem>>, %arg7: memref<512xi32, #tpu.memory_space<vmem>>, %arg8: memref<512xf32, #tpu.memory_space<vmem>>, %arg9: memref<256x128xf32, #tpu.memory_space<vmem>>, %arg10: memref<256x128xf32, #tpu.memory_space<vmem>>, %arg11: memref<64x256xf32, #tpu.memory_space<vmem>>, %arg12: memref<64x256xf32, #tpu.memory_space<vmem>>, %arg13: memref<!tpu.dma_semaphore, #tpu.memory_space<semaphore_mem>>, %arg14: memref<!tpu.dma_semaphore, #tpu.memory_space<semaphore_mem>>, %arg15: memref<!tpu.dma_semaphore, #tpu.memory_space<semaphore_mem>>, %arg16: memref<!tpu.dma_semaphore, #tpu.memory_space<semaphore_mem>>) attributes {dimension_semantics = [#tpu.dimension_semantics<core_parallel>, #tpu.dimension_semantics<subcore_parallel>], iteration_bounds = array<i64: 2, 16>, scalar_prefetch = 0 : i64, scratch_operands = 11 : i64, tpu.core_type = #tpu.core_type<sc_vector_subcore>, window_params = [{transform_indices = #map}, {transform_indices = #map1}, {transform_indices = #map}, {transform_indices = #map1}]} {
    %mul3A = arith.constant 2 : i32
    %mul3A_0 = arith.muli %arg1, %mul3A : i32
    %add3A = arith.addi %mul3A_0, %arg0 : i32
    %mul3A_1 = arith.constant 512 : i32
    %mul3A_2 = arith.muli %add3A, %mul3A_1 : i32
    %dma_start3A = arith.constant 0 : i32
    %dma_start3A_3 = tpu.memref_slice %arg2[%dma_start3A, %mul3A_2] : memref<64x16384xf32, #tpu.memory_space<hbm>> -> memref<64x256xf32, #tpu.memory_space<hbm>>
    %dma_start3A_4 = arith.constant 0 : i32
    %dma_start3A_5 = tpu.memref_slice %arg2[%dma_start3A_4, %mul3A_2] : memref<64x16384xf32, #tpu.memory_space<hbm>> -> memref<64x256xf32, #tpu.memory_space<hbm>>
    tpu.enqueue_dma source(%dma_start3A_5 : memref<64x256xf32, #tpu.memory_space<hbm>>) target(%arg11 : memref<64x256xf32, #tpu.memory_space<vmem>>) target_semaphore(%arg15 : memref<!tpu.dma_semaphore, #tpu.memory_space<semaphore_mem>>)
    %add3A_6 = arith.constant 256 : i32
    %add3A_7 = arith.addi %mul3A_2, %add3A_6 : i32
    %dma_start3A_8 = arith.constant 0 : i32
    %dma_start3A_9 = tpu.memref_slice %arg2[%dma_start3A_8, %add3A_7] : memref<64x16384xf32, #tpu.memory_space<hbm>> -> memref<64x256xf32, #tpu.memory_space<hbm>>
    %dma_start3A_10 = arith.constant 0 : i32
    %dma_start3A_11 = tpu.memref_slice %arg2[%dma_start3A_10, %add3A_7] : memref<64x16384xf32, #tpu.memory_space<hbm>> -> memref<64x256xf32, #tpu.memory_space<hbm>>
    tpu.enqueue_dma source(%dma_start3A_11 : memref<64x256xf32, #tpu.memory_space<hbm>>) target(%arg12 : memref<64x256xf32, #tpu.memory_space<vmem>>) target_semaphore(%arg16 : memref<!tpu.dma_semaphore, #tpu.memory_space<semaphore_mem>>)
    "tpu.region"() ({
      %run_scoped3A = tpu.sem_alloc : memref<!tpu.dma_semaphore, #tpu.memory_space<semaphore_mem>>
      %dma_start3A_56 = tpu.memref_slice %arg3[%mul3A_2] : memref<16384xi32, #tpu.memory_space<hbm>> -> memref<512xi32, #tpu.memory_space<hbm>>
      %dma_start3A_57 = tpu.memref_slice %arg3[%mul3A_2] : memref<16384xi32, #tpu.memory_space<hbm>> -> memref<512xi32, #tpu.memory_space<hbm>>
      tpu.enqueue_dma source(%dma_start3A_57 : memref<512xi32, #tpu.memory_space<hbm>>) target(%arg6 : memref<512xi32, #tpu.memory_space<vmem>>) target_semaphore(%run_scoped3A : memref<!tpu.dma_semaphore, #tpu.memory_space<semaphore_mem>>)
      %dma_wait3A_58 = tpu.memref_slice %arg3[%mul3A_2] : memref<16384xi32, #tpu.memory_space<hbm>> -> memref<512xi32, #tpu.memory_space<hbm>>
      %dma_wait3A_59 = tpu.memref_slice %arg3[%mul3A_2] : memref<16384xi32, #tpu.memory_space<hbm>> -> memref<512xi32, #tpu.memory_space<hbm>>
      tpu.wait_dma2 semaphore(%run_scoped3A : memref<!tpu.dma_semaphore, #tpu.memory_space<semaphore_mem>>) src(%dma_wait3A_59 : memref<512xi32, #tpu.memory_space<hbm>>) dst(%arg6 : memref<512xi32, #tpu.memory_space<vmem>>)
      tpu.yield
    }) : () -> ()
    %scan3A = arith.constant 0 : i32
    %scan3A_12 = arith.constant 0 : i32
    %scan3A_13 = arith.constant 32 : i32
    %scan3A_14 = arith.addi %scan3A_12, %scan3A_13 : i32
    %scan3A_15 = arith.constant 1 : i32
    scf.for %scan3A_56 = %scan3A_12 to %scan3A_14 step %scan3A_15  : i32 {
      %mul3A_57 = arith.constant 16 : i32
      %mul3A_58 = arith.muli %scan3A_56, %mul3A_57 : i32
      %get3A = arith.index_cast %mul3A_58 : i32 to index
      %get3A_59 = tpu.vector_load %arg6[%get3A] {strides = array<i32>} : memref<512xi32, #tpu.memory_space<vmem>>, vector<16xi32>,
      %shift_right_arithmetic3A = arith.constant 1 : i32
      %shift_right_arithmetic3A_60 = vector.broadcast %shift_right_arithmetic3A : i32 to vector<16xi32>
      %shift_right_arithmetic3A_61 = arith.shrsi %get3A_59, %shift_right_arithmetic3A_60 : vector<16xi32>
      %mul3A_62 = arith.constant 16 : i32
      %mul3A_63 = arith.muli %scan3A_56, %mul3A_62 : i32
      %swap3A = arith.index_cast %mul3A_63 : i32 to index
      %swap3A_64 = tpu.vector_load %arg7[%swap3A] {strides = array<i32>} : memref<512xi32, #tpu.memory_space<vmem>>, vector<16xi32>,
      tpu.vector_store %arg7[%swap3A], %shift_right_arithmetic3A_61 {strides = array<i32>} : memref<512xi32, #tpu.memory_space<vmem>>, vector<16xi32>,
    }
    %scan3A_16 = arith.constant 32 : i32
    %iota3A = tpu.iota {dimensions = array<i32: 0>} : vector<16xi32>
    %dma_start3A_17 = arith.constant 0 : i32
    %dma_start3A_18 = tpu.memref_slice %arg7[%dma_start3A_17] : memref<512xi32, #tpu.memory_space<vmem>> -> memref<256xi32, #tpu.memory_space<vmem>>
    %dma_start3A_19 = arith.constant 0 : i32
    %dma_start3A_20 = arith.constant 0 : i32
    %dma_start3A_21 = tpu.memref_slice %arg4[%dma_start3A_19, %dma_start3A_20] : memref<505x128xf32, #tpu.memory_space<hbm>> -> memref<505x128xf32, #tpu.memory_space<hbm>>
    tpu.enqueue_indirect_dma source(%dma_start3A_21 : memref<505x128xf32, #tpu.memory_space<hbm>>) target(%arg9 : memref<256x128xf32, #tpu.memory_space<vmem>>) offsets(%dma_start3A_18 : memref<256xi32, #tpu.memory_space<vmem>>) semaphore(%arg13 : memref<!tpu.dma_semaphore, #tpu.memory_space<semaphore_mem>>)
    %dma_start3A_22 = arith.constant 256 : i32
    %dma_start3A_23 = tpu.memref_slice %arg7[%dma_start3A_22] : memref<512xi32, #tpu.memory_space<vmem>> -> memref<256xi32, #tpu.memory_space<vmem>>
    %dma_start3A_24 = arith.constant 0 : i32
    %dma_start3A_25 = arith.constant 0 : i32
    %dma_start3A_26 = tpu.memref_slice %arg4[%dma_start3A_24, %dma_start3A_25] : memref<505x128xf32, #tpu.memory_space<hbm>> -> memref<505x128xf32, #tpu.memory_space<hbm>>
    tpu.enqueue_indirect_dma source(%dma_start3A_26 : memref<505x128xf32, #tpu.memory_space<hbm>>) target(%arg10 : memref<256x128xf32, #tpu.memory_space<vmem>>) offsets(%dma_start3A_23 : memref<256xi32, #tpu.memory_space<vmem>>) semaphore(%arg14 : memref<!tpu.dma_semaphore, #tpu.memory_space<semaphore_mem>>)
    %dma_wait3A = arith.constant 0 : i32
    %dma_wait3A_27 = tpu.memref_slice %arg7[%dma_wait3A] : memref<512xi32, #tpu.memory_space<vmem>> -> memref<256xi32, #tpu.memory_space<vmem>>
    %dma_wait3A_28 = arith.constant 0 : i32
    %dma_wait3A_29 = arith.constant 0 : i32
    %dma_wait3A_30 = tpu.memref_slice %arg4[%dma_wait3A_28, %dma_wait3A_29] : memref<505x128xf32, #tpu.memory_space<hbm>> -> memref<505x128xf32, #tpu.memory_space<hbm>>
    tpu.wait_indirect_dma semaphore(%arg13 : memref<!tpu.dma_semaphore, #tpu.memory_space<semaphore_mem>>) src(%dma_wait3A_30 : memref<505x128xf32, #tpu.memory_space<hbm>>) dst(%arg9 : memref<256x128xf32, #tpu.memory_space<vmem>>)
    %dma_wait3A_31 = arith.constant 0 : i32
    %dma_wait3A_32 = tpu.memref_slice %arg2[%dma_wait3A_31, %mul3A_2] : memref<64x16384xf32, #tpu.memory_space<hbm>> -> memref<64x256xf32, #tpu.memory_space<hbm>>
    %dma_wait3A_33 = arith.constant 0 : i32
    %dma_wait3A_34 = tpu.memref_slice %arg2[%dma_wait3A_33, %mul3A_2] : memref<64x16384xf32, #tpu.memory_space<hbm>> -> memref<64x256xf32, #tpu.memory_space<hbm>>
    tpu.wait_dma2 semaphore(%arg15 : memref<!tpu.dma_semaphore, #tpu.memory_space<semaphore_mem>>) src(%dma_wait3A_34 : memref<64x256xf32, #tpu.memory_space<hbm>>) dst(%arg11 : memref<64x256xf32, #tpu.memory_space<vmem>>)
    %scan3A_35 = arith.constant 0 : i32
    %scan3A_36 = arith.constant 0 : i32
    %scan3A_37 = arith.constant 16 : i32
    %scan3A_38 = arith.addi %scan3A_36, %scan3A_37 : i32
    %scan3A_39 = arith.constant 1 : i32
    scf.for %scan3A_56 = %scan3A_36 to %scan3A_38 step %scan3A_39  : i32 {
      %mul3A_57 = arith.constant 16 : i32
      %mul3A_58 = arith.muli %scan3A_56, %mul3A_57 : i32
      %add3A_59 = vector.broadcast %mul3A_58 : i32 to vector<16xi32>
      %add3A_60 = arith.addi %add3A_59, %iota3A : vector<16xi32>
      %mul3A_61 = arith.constant 16 : i32
      %mul3A_62 = arith.muli %scan3A_56, %mul3A_61 : i32
      %add3A_63 = arith.constant 0 : i32
      %add3A_64 = arith.addi %add3A_63, %mul3A_62 : i32
      %get3A = arith.index_cast %add3A_64 : i32 to index
      %get3A_65 = tpu.vector_load %arg6[%get3A] {strides = array<i32>} : memref<512xi32, #tpu.memory_space<vmem>>, vector<16xi32>,
      %and3A = arith.constant 1 : i32
      %and3A_66 = vector.broadcast %and3A : i32 to vector<16xi32>
      %and3A_67 = arith.andi %get3A_65, %and3A_66 : vector<16xi32>
      %shift_left3A = arith.constant 6 : i32
      %shift_left3A_68 = vector.broadcast %shift_left3A : i32 to vector<16xi32>
      %shift_left3A_69 = arith.shli %and3A_67, %shift_left3A_68 : vector<16xi32>
      %broadcast_in_dim3A = arith.constant 0.000000e+00 : f32
      %broadcast_in_dim3A_70 = vector.broadcast %broadcast_in_dim3A : f32 to vector<16xf32>
      %scan3A_71 = arith.constant 0 : i32
      %scan3A_72 = arith.constant 4 : i32
      %scan3A_73 = arith.addi %scan3A_71, %scan3A_72 : i32
      %scan3A_74 = arith.constant 1 : i32
      %scan3A_75:3 = scf.for %scan3A_139 = %scan3A_71 to %scan3A_73 step %scan3A_74 iter_args(%scan3A_140 = %broadcast_in_dim3A_70, %scan3A_141 = %broadcast_in_dim3A_70, %scan3A_142 = %broadcast_in_dim3A_70) -> (vector<16xf32>, vector<16xf32>, vector<16xf32>)  : i32 {
        %mul3A_143 = arith.constant 16 : i32
        %mul3A_144 = arith.muli %scan3A_139, %mul3A_143 : i32
        %add3A_145 = vector.broadcast %mul3A_144 : i32 to vector<16xi32>
        %add3A_146 = arith.addi %iota3A, %add3A_145 : vector<16xi32>
        %add3A_147 = arith.constant 0 : i32
        %add3A_148 = vector.broadcast %add3A_147 : i32 to vector<16xi32>
        %add3A_149 = arith.addi %add3A_146, %add3A_148 : vector<16xi32>
        %and3A_150 = arith.constant 63 : i32
        %and3A_151 = vector.broadcast %and3A_150 : i32 to vector<16xi32>
        %and3A_152 = arith.andi %add3A_149, %and3A_151 : vector<16xi32>
        %add3A_153 = arith.addi %shift_left3A_69, %and3A_152 : vector<16xi32>
        %gather3A = tpu.vector_load_idx %arg9[%add3A_60, %add3A_153] : memref<256x128xf32, #tpu.memory_space<vmem>>[vector<16xi32>, vector<16xi32>], vector<16xf32>,
        %gather3A_154 = tpu.vector_load_idx %arg11[%and3A_152, %add3A_60] : memref<64x256xf32, #tpu.memory_space<vmem>>[vector<16xi32>, vector<16xi32>], vector<16xf32>,
        %mul3A_155 = arith.mulf %gather3A, %gather3A_154 : vector<16xf32>
        %add3A_156 = arith.addf %scan3A_140, %mul3A_155 : vector<16xf32>
        %mul3A_157 = arith.mulf %gather3A, %gather3A : vector<16xf32>
        %add3A_158 = arith.addf %scan3A_141, %mul3A_157 : vector<16xf32>
        %mul3A_159 = arith.mulf %gather3A_154, %gather3A_154 : vector<16xf32>
        %add3A_160 = arith.addf %scan3A_142, %mul3A_159 : vector<16xf32>
        %add3A_161 = arith.constant 1 : i32
        %add3A_162 = vector.broadcast %add3A_161 : i32 to vector<16xi32>
        %add3A_163 = arith.addi %add3A_146, %add3A_162 : vector<16xi32>
        %and3A_164 = arith.constant 63 : i32
        %and3A_165 = vector.broadcast %and3A_164 : i32 to vector<16xi32>
        %and3A_166 = arith.andi %add3A_163, %and3A_165 : vector<16xi32>
        %add3A_167 = arith.addi %shift_left3A_69, %and3A_166 : vector<16xi32>
        %gather3A_168 = tpu.vector_load_idx %arg9[%add3A_60, %add3A_167] : memref<256x128xf32, #tpu.memory_space<vmem>>[vector<16xi32>, vector<16xi32>], vector<16xf32>,
        %gather3A_169 = tpu.vector_load_idx %arg11[%and3A_166, %add3A_60] : memref<64x256xf32, #tpu.memory_space<vmem>>[vector<16xi32>, vector<16xi32>], vector<16xf32>,
        %mul3A_170 = arith.mulf %gather3A_168, %gather3A_169 : vector<16xf32>
        %add3A_171 = arith.addf %add3A_156, %mul3A_170 : vector<16xf32>
        %mul3A_172 = arith.mulf %gather3A_168, %gather3A_168 : vector<16xf32>
        %add3A_173 = arith.addf %add3A_158, %mul3A_172 : vector<16xf32>
        %mul3A_174 = arith.mulf %gather3A_169, %gather3A_169 : vector<16xf32>
        %add3A_175 = arith.addf %add3A_160, %mul3A_174 : vector<16xf32>
        %add3A_176 = arith.constant 2 : i32
        %add3A_177 = vector.broadcast %add3A_176 : i32 to vector<16xi32>
        %add3A_178 = arith.addi %add3A_146, %add3A_177 : vector<16xi32>
        %and3A_179 = arith.constant 63 : i32
        %and3A_180 = vector.broadcast %and3A_179 : i32 to vector<16xi32>
        %and3A_181 = arith.andi %add3A_178, %and3A_180 : vector<16xi32>
        %add3A_182 = arith.addi %shift_left3A_69, %and3A_181 : vector<16xi32>
        %gather3A_183 = tpu.vector_load_idx %arg9[%add3A_60, %add3A_182] : memref<256x128xf32, #tpu.memory_space<vmem>>[vector<16xi32>, vector<16xi32>], vector<16xf32>,
        %gather3A_184 = tpu.vector_load_idx %arg11[%and3A_181, %add3A_60] : memref<64x256xf32, #tpu.memory_space<vmem>>[vector<16xi32>, vector<16xi32>], vector<16xf32>,
        %mul3A_185 = arith.mulf %gather3A_183, %gather3A_184 : vector<16xf32>
        %add3A_186 = arith.addf %add3A_171, %mul3A_185 : vector<16xf32>
        %mul3A_187 = arith.mulf %gather3A_183, %gather3A_183 : vector<16xf32>
        %add3A_188 = arith.addf %add3A_173, %mul3A_187 : vector<16xf32>
        %mul3A_189 = arith.mulf %gather3A_184, %gather3A_184 : vector<16xf32>
        %add3A_190 = arith.addf %add3A_175, %mul3A_189 : vector<16xf32>
        %add3A_191 = arith.constant 3 : i32
        %add3A_192 = vector.broadcast %add3A_191 : i32 to vector<16xi32>
        %add3A_193 = arith.addi %add3A_146, %add3A_192 : vector<16xi32>
        %and3A_194 = arith.constant 63 : i32
        %and3A_195 = vector.broadcast %and3A_194 : i32 to vector<16xi32>
        %and3A_196 = arith.andi %add3A_193, %and3A_195 : vector<16xi32>
        %add3A_197 = arith.addi %shift_left3A_69, %and3A_196 : vector<16xi32>
        %gather3A_198 = tpu.vector_load_idx %arg9[%add3A_60, %add3A_197] : memref<256x128xf32, #tpu.memory_space<vmem>>[vector<16xi32>, vector<16xi32>], vector<16xf32>,
        %gather3A_199 = tpu.vector_load_idx %arg11[%and3A_196, %add3A_60] : memref<64x256xf32, #tpu.memory_space<vmem>>[vector<16xi32>, vector<16xi32>], vector<16xf32>,
        %mul3A_200 = arith.mulf %gather3A_198, %gather3A_199 : vector<16xf32>
        %add3A_201 = arith.addf %add3A_186, %mul3A_200 : vector<16xf32>
        %mul3A_202 = arith.mulf %gather3A_198, %gather3A_198 : vector<16xf32>
        %add3A_203 = arith.addf %add3A_188, %mul3A_202 : vector<16xf32>
        %mul3A_204 = arith.mulf %gather3A_199, %gather3A_199 : vector<16xf32>
        %add3A_205 = arith.addf %add3A_190, %mul3A_204 : vector<16xf32>
        %add3A_206 = arith.constant 4 : i32
        %add3A_207 = vector.broadcast %add3A_206 : i32 to vector<16xi32>
        %add3A_208 = arith.addi %add3A_146, %add3A_207 : vector<16xi32>
        %and3A_209 = arith.constant 63 : i32
        %and3A_210 = vector.broadcast %and3A_209 : i32 to vector<16xi32>
        %and3A_211 = arith.andi %add3A_208, %and3A_210 : vector<16xi32>
        %add3A_212 = arith.addi %shift_left3A_69, %and3A_211 : vector<16xi32>
        %gather3A_213 = tpu.vector_load_idx %arg9[%add3A_60, %add3A_212] : memref<256x128xf32, #tpu.memory_space<vmem>>[vector<16xi32>, vector<16xi32>], vector<16xf32>,
        %gather3A_214 = tpu.vector_load_idx %arg11[%and3A_211, %add3A_60] : memref<64x256xf32, #tpu.memory_space<vmem>>[vector<16xi32>, vector<16xi32>], vector<16xf32>,
        %mul3A_215 = arith.mulf %gather3A_213, %gather3A_214 : vector<16xf32>
        %add3A_216 = arith.addf %add3A_201, %mul3A_215 : vector<16xf32>
        %mul3A_217 = arith.mulf %gather3A_213, %gather3A_213 : vector<16xf32>
        %add3A_218 = arith.addf %add3A_203, %mul3A_217 : vector<16xf32>
        %mul3A_219 = arith.mulf %gather3A_214, %gather3A_214 : vector<16xf32>
        %add3A_220 = arith.addf %add3A_205, %mul3A_219 : vector<16xf32>
        %add3A_221 = arith.constant 5 : i32
        %add3A_222 = vector.broadcast %add3A_221 : i32 to vector<16xi32>
        %add3A_223 = arith.addi %add3A_146, %add3A_222 : vector<16xi32>
        %and3A_224 = arith.constant 63 : i32
        %and3A_225 = vector.broadcast %and3A_224 : i32 to vector<16xi32>
        %and3A_226 = arith.andi %add3A_223, %and3A_225 : vector<16xi32>
        %add3A_227 = arith.addi %shift_left3A_69, %and3A_226 : vector<16xi32>
        %gather3A_228 = tpu.vector_load_idx %arg9[%add3A_60, %add3A_227] : memref<256x128xf32, #tpu.memory_space<vmem>>[vector<16xi32>, vector<16xi32>], vector<16xf32>,
        %gather3A_229 = tpu.vector_load_idx %arg11[%and3A_226, %add3A_60] : memref<64x256xf32, #tpu.memory_space<vmem>>[vector<16xi32>, vector<16xi32>], vector<16xf32>,
        %mul3A_230 = arith.mulf %gather3A_228, %gather3A_229 : vector<16xf32>
        %add3A_231 = arith.addf %add3A_216, %mul3A_230 : vector<16xf32>
        %mul3A_232 = arith.mulf %gather3A_228, %gather3A_228 : vector<16xf32>
        %add3A_233 = arith.addf %add3A_218, %mul3A_232 : vector<16xf32>
        %mul3A_234 = arith.mulf %gather3A_229, %gather3A_229 : vector<16xf32>
        %add3A_235 = arith.addf %add3A_220, %mul3A_234 : vector<16xf32>
        %add3A_236 = arith.constant 6 : i32
        %add3A_237 = vector.broadcast %add3A_236 : i32 to vector<16xi32>
        %add3A_238 = arith.addi %add3A_146, %add3A_237 : vector<16xi32>
        %and3A_239 = arith.constant 63 : i32
        %and3A_240 = vector.broadcast %and3A_239 : i32 to vector<16xi32>
        %and3A_241 = arith.andi %add3A_238, %and3A_240 : vector<16xi32>
        %add3A_242 = arith.addi %shift_left3A_69, %and3A_241 : vector<16xi32>
        %gather3A_243 = tpu.vector_load_idx %arg9[%add3A_60, %add3A_242] : memref<256x128xf32, #tpu.memory_space<vmem>>[vector<16xi32>, vector<16xi32>], vector<16xf32>,
        %gather3A_244 = tpu.vector_load_idx %arg11[%and3A_241, %add3A_60] : memref<64x256xf32, #tpu.memory_space<vmem>>[vector<16xi32>, vector<16xi32>], vector<16xf32>,
        %mul3A_245 = arith.mulf %gather3A_243, %gather3A_244 : vector<16xf32>
        %add3A_246 = arith.addf %add3A_231, %mul3A_245 : vector<16xf32>
        %mul3A_247 = arith.mulf %gather3A_243, %gather3A_243 : vector<16xf32>
        %add3A_248 = arith.addf %add3A_233, %mul3A_247 : vector<16xf32>
        %mul3A_249 = arith.mulf %gather3A_244, %gather3A_244 : vector<16xf32>
        %add3A_250 = arith.addf %add3A_235, %mul3A_249 : vector<16xf32>
        %add3A_251 = arith.constant 7 : i32
        %add3A_252 = vector.broadcast %add3A_251 : i32 to vector<16xi32>
        %add3A_253 = arith.addi %add3A_146, %add3A_252 : vector<16xi32>
        %and3A_254 = arith.constant 63 : i32
        %and3A_255 = vector.broadcast %and3A_254 : i32 to vector<16xi32>
        %and3A_256 = arith.andi %add3A_253, %and3A_255 : vector<16xi32>
        %add3A_257 = arith.addi %shift_left3A_69, %and3A_256 : vector<16xi32>
        %gather3A_258 = tpu.vector_load_idx %arg9[%add3A_60, %add3A_257] : memref<256x128xf32, #tpu.memory_space<vmem>>[vector<16xi32>, vector<16xi32>], vector<16xf32>,
        %gather3A_259 = tpu.vector_load_idx %arg11[%and3A_256, %add3A_60] : memref<64x256xf32, #tpu.memory_space<vmem>>[vector<16xi32>, vector<16xi32>], vector<16xf32>,
        %mul3A_260 = arith.mulf %gather3A_258, %gather3A_259 : vector<16xf32>
        %add3A_261 = arith.addf %add3A_246, %mul3A_260 : vector<16xf32>
        %mul3A_262 = arith.mulf %gather3A_258, %gather3A_258 : vector<16xf32>
        %add3A_263 = arith.addf %add3A_248, %mul3A_262 : vector<16xf32>
        %mul3A_264 = arith.mulf %gather3A_259, %gather3A_259 : vector<16xf32>
        %add3A_265 = arith.addf %add3A_250, %mul3A_264 : vector<16xf32>
        %add3A_266 = arith.constant 8 : i32
        %add3A_267 = vector.broadcast %add3A_266 : i32 to vector<16xi32>
        %add3A_268 = arith.addi %add3A_146, %add3A_267 : vector<16xi32>
        %and3A_269 = arith.constant 63 : i32
        %and3A_270 = vector.broadcast %and3A_269 : i32 to vector<16xi32>
        %and3A_271 = arith.andi %add3A_268, %and3A_270 : vector<16xi32>
        %add3A_272 = arith.addi %shift_left3A_69, %and3A_271 : vector<16xi32>
        %gather3A_273 = tpu.vector_load_idx %arg9[%add3A_60, %add3A_272] : memref<256x128xf32, #tpu.memory_space<vmem>>[vector<16xi32>, vector<16xi32>], vector<16xf32>,
        %gather3A_274 = tpu.vector_load_idx %arg11[%and3A_271, %add3A_60] : memref<64x256xf32, #tpu.memory_space<vmem>>[vector<16xi32>, vector<16xi32>], vector<16xf32>,
        %mul3A_275 = arith.mulf %gather3A_273, %gather3A_274 : vector<16xf32>
        %add3A_276 = arith.addf %add3A_261, %mul3A_275 : vector<16xf32>
        %mul3A_277 = arith.mulf %gather3A_273, %gather3A_273 : vector<16xf32>
        %add3A_278 = arith.addf %add3A_263, %mul3A_277 : vector<16xf32>
        %mul3A_279 = arith.mulf %gather3A_274, %gather3A_274 : vector<16xf32>
        %add3A_280 = arith.addf %add3A_265, %mul3A_279 : vector<16xf32>
        %add3A_281 = arith.constant 9 : i32
        %add3A_282 = vector.broadcast %add3A_281 : i32 to vector<16xi32>
        %add3A_283 = arith.addi %add3A_146, %add3A_282 : vector<16xi32>
        %and3A_284 = arith.constant 63 : i32
        %and3A_285 = vector.broadcast %and3A_284 : i32 to vector<16xi32>
        %and3A_286 = arith.andi %add3A_283, %and3A_285 : vector<16xi32>
        %add3A_287 = arith.addi %shift_left3A_69, %and3A_286 : vector<16xi32>
        %gather3A_288 = tpu.vector_load_idx %arg9[%add3A_60, %add3A_287] : memref<256x128xf32, #tpu.memory_space<vmem>>[vector<16xi32>, vector<16xi32>], vector<16xf32>,
        %gather3A_289 = tpu.vector_load_idx %arg11[%and3A_286, %add3A_60] : memref<64x256xf32, #tpu.memory_space<vmem>>[vector<16xi32>, vector<16xi32>], vector<16xf32>,
        %mul3A_290 = arith.mulf %gather3A_288, %gather3A_289 : vector<16xf32>
        %add3A_291 = arith.addf %add3A_276, %mul3A_290 : vector<16xf32>
        %mul3A_292 = arith.mulf %gather3A_288, %gather3A_288 : vector<16xf32>
        %add3A_293 = arith.addf %add3A_278, %mul3A_292 : vector<16xf32>
        %mul3A_294 = arith.mulf %gather3A_289, %gather3A_289 : vector<16xf32>
        %add3A_295 = arith.addf %add3A_280, %mul3A_294 : vector<16xf32>
        %add3A_296 = arith.constant 10 : i32
        %add3A_297 = vector.broadcast %add3A_296 : i32 to vector<16xi32>
        %add3A_298 = arith.addi %add3A_146, %add3A_297 : vector<16xi32>
        %and3A_299 = arith.constant 63 : i32
        %and3A_300 = vector.broadcast %and3A_299 : i32 to vector<16xi32>
        %and3A_301 = arith.andi %add3A_298, %and3A_300 : vector<16xi32>
        %add3A_302 = arith.addi %shift_left3A_69, %and3A_301 : vector<16xi32>
        %gather3A_303 = tpu.vector_load_idx %arg9[%add3A_60, %add3A_302] : memref<256x128xf32, #tpu.memory_space<vmem>>[vector<16xi32>, vector<16xi32>], vector<16xf32>,
        %gather3A_304 = tpu.vector_load_idx %arg11[%and3A_301, %add3A_60] : memref<64x256xf32, #tpu.memory_space<vmem>>[vector<16xi32>, vector<16xi32>], vector<16xf32>,
        %mul3A_305 = arith.mulf %gather3A_303, %gather3A_304 : vector<16xf32>
        %add3A_306 = arith.addf %add3A_291, %mul3A_305 : vector<16xf32>
        %mul3A_307 = arith.mulf %gather3A_303, %gather3A_303 : vector<16xf32>
        %add3A_308 = arith.addf %add3A_293, %mul3A_307 : vector<16xf32>
        %mul3A_309 = arith.mulf %gather3A_304, %gather3A_304 : vector<16xf32>
        %add3A_310 = arith.addf %add3A_295, %mul3A_309 : vector<16xf32>
        %add3A_311 = arith.constant 11 : i32
        %add3A_312 = vector.broadcast %add3A_311 : i32 to vector<16xi32>
        %add3A_313 = arith.addi %add3A_146, %add3A_312 : vector<16xi32>
        %and3A_314 = arith.constant 63 : i32
        %and3A_315 = vector.broadcast %and3A_314 : i32 to vector<16xi32>
        %and3A_316 = arith.andi %add3A_313, %and3A_315 : vector<16xi32>
        %add3A_317 = arith.addi %shift_left3A_69, %and3A_316 : vector<16xi32>
        %gather3A_318 = tpu.vector_load_idx %arg9[%add3A_60, %add3A_317] : memref<256x128xf32, #tpu.memory_space<vmem>>[vector<16xi32>, vector<16xi32>], vector<16xf32>,
        %gather3A_319 = tpu.vector_load_idx %arg11[%and3A_316, %add3A_60] : memref<64x256xf32, #tpu.memory_space<vmem>>[vector<16xi32>, vector<16xi32>], vector<16xf32>,
        %mul3A_320 = arith.mulf %gather3A_318, %gather3A_319 : vector<16xf32>
        %add3A_321 = arith.addf %add3A_306, %mul3A_320 : vector<16xf32>
        %mul3A_322 = arith.mulf %gather3A_318, %gather3A_318 : vector<16xf32>
        %add3A_323 = arith.addf %add3A_308, %mul3A_322 : vector<16xf32>
        %mul3A_324 = arith.mulf %gather3A_319, %gather3A_319 : vector<16xf32>
        %add3A_325 = arith.addf %add3A_310, %mul3A_324 : vector<16xf32>
        %add3A_326 = arith.constant 12 : i32
        %add3A_327 = vector.broadcast %add3A_326 : i32 to vector<16xi32>
        %add3A_328 = arith.addi %add3A_146, %add3A_327 : vector<16xi32>
        %and3A_329 = arith.constant 63 : i32
        %and3A_330 = vector.broadcast %and3A_329 : i32 to vector<16xi32>
        %and3A_331 = arith.andi %add3A_328, %and3A_330 : vector<16xi32>
        %add3A_332 = arith.addi %shift_left3A_69, %and3A_331 : vector<16xi32>
        %gather3A_333 = tpu.vector_load_idx %arg9[%add3A_60, %add3A_332] : memref<256x128xf32, #tpu.memory_space<vmem>>[vector<16xi32>, vector<16xi32>], vector<16xf32>,
        %gather3A_334 = tpu.vector_load_idx %arg11[%and3A_331, %add3A_60] : memref<64x256xf32, #tpu.memory_space<vmem>>[vector<16xi32>, vector<16xi32>], vector<16xf32>,
        %mul3A_335 = arith.mulf %gather3A_333, %gather3A_334 : vector<16xf32>
        %add3A_336 = arith.addf %add3A_321, %mul3A_335 : vector<16xf32>
        %mul3A_337 = arith.mulf %gather3A_333, %gather3A_333 : vector<16xf32>
        %add3A_338 = arith.addf %add3A_323, %mul3A_337 : vector<16xf32>
        %mul3A_339 = arith.mulf %gather3A_334, %gather3A_334 : vector<16xf32>
        %add3A_340 = arith.addf %add3A_325, %mul3A_339 : vector<16xf32>
        %add3A_341 = arith.constant 13 : i32
        %add3A_342 = vector.broadcast %add3A_341 : i32 to vector<16xi32>
        %add3A_343 = arith.addi %add3A_146, %add3A_342 : vector<16xi32>
        %and3A_344 = arith.constant 63 : i32
        %and3A_345 = vector.broadcast %and3A_344 : i32 to vector<16xi32>
        %and3A_346 = arith.andi %add3A_343, %and3A_345 : vector<16xi32>
        %add3A_347 = arith.addi %shift_left3A_69, %and3A_346 : vector<16xi32>
        %gather3A_348 = tpu.vector_load_idx %arg9[%add3A_60, %add3A_347] : memref<256x128xf32, #tpu.memory_space<vmem>>[vector<16xi32>, vector<16xi32>], vector<16xf32>,
        %gather3A_349 = tpu.vector_load_idx %arg11[%and3A_346, %add3A_60] : memref<64x256xf32, #tpu.memory_space<vmem>>[vector<16xi32>, vector<16xi32>], vector<16xf32>,
        %mul3A_350 = arith.mulf %gather3A_348, %gather3A_349 : vector<16xf32>
        %add3A_351 = arith.addf %add3A_336, %mul3A_350 : vector<16xf32>
        %mul3A_352 = arith.mulf %gather3A_348, %gather3A_348 : vector<16xf32>
        %add3A_353 = arith.addf %add3A_338, %mul3A_352 : vector<16xf32>
        %mul3A_354 = arith.mulf %gather3A_349, %gather3A_349 : vector<16xf32>
        %add3A_355 = arith.addf %add3A_340, %mul3A_354 : vector<16xf32>
        %add3A_356 = arith.constant 14 : i32
        %add3A_357 = vector.broadcast %add3A_356 : i32 to vector<16xi32>
        %add3A_358 = arith.addi %add3A_146, %add3A_357 : vector<16xi32>
        %and3A_359 = arith.constant 63 : i32
        %and3A_360 = vector.broadcast %and3A_359 : i32 to vector<16xi32>
        %and3A_361 = arith.andi %add3A_358, %and3A_360 : vector<16xi32>
        %add3A_362 = arith.addi %shift_left3A_69, %and3A_361 : vector<16xi32>
        %gather3A_363 = tpu.vector_load_idx %arg9[%add3A_60, %add3A_362] : memref<256x128xf32, #tpu.memory_space<vmem>>[vector<16xi32>, vector<16xi32>], vector<16xf32>,
        %gather3A_364 = tpu.vector_load_idx %arg11[%and3A_361, %add3A_60] : memref<64x256xf32, #tpu.memory_space<vmem>>[vector<16xi32>, vector<16xi32>], vector<16xf32>,
        %mul3A_365 = arith.mulf %gather3A_363, %gather3A_364 : vector<16xf32>
        %add3A_366 = arith.addf %add3A_351, %mul3A_365 : vector<16xf32>
        %mul3A_367 = arith.mulf %gather3A_363, %gather3A_363 : vector<16xf32>
        %add3A_368 = arith.addf %add3A_353, %mul3A_367 : vector<16xf32>
        %mul3A_369 = arith.mulf %gather3A_364, %gather3A_364 : vector<16xf32>
        %add3A_370 = arith.addf %add3A_355, %mul3A_369 : vector<16xf32>
        %add3A_371 = arith.constant 15 : i32
        %add3A_372 = vector.broadcast %add3A_371 : i32 to vector<16xi32>
        %add3A_373 = arith.addi %add3A_146, %add3A_372 : vector<16xi32>
        %and3A_374 = arith.constant 63 : i32
        %and3A_375 = vector.broadcast %and3A_374 : i32 to vector<16xi32>
        %and3A_376 = arith.andi %add3A_373, %and3A_375 : vector<16xi32>
        %add3A_377 = arith.addi %shift_left3A_69, %and3A_376 : vector<16xi32>
        %gather3A_378 = tpu.vector_load_idx %arg9[%add3A_60, %add3A_377] : memref<256x128xf32, #tpu.memory_space<vmem>>[vector<16xi32>, vector<16xi32>], vector<16xf32>,
        %gather3A_379 = tpu.vector_load_idx %arg11[%and3A_376, %add3A_60] : memref<64x256xf32, #tpu.memory_space<vmem>>[vector<16xi32>, vector<16xi32>], vector<16xf32>,
        %mul3A_380 = arith.mulf %gather3A_378, %gather3A_379 : vector<16xf32>
        %add3A_381 = arith.addf %add3A_366, %mul3A_380 : vector<16xf32>
        %mul3A_382 = arith.mulf %gather3A_378, %gather3A_378 : vector<16xf32>
        %add3A_383 = arith.addf %add3A_368, %mul3A_382 : vector<16xf32>
        %mul3A_384 = arith.mulf %gather3A_379, %gather3A_379 : vector<16xf32>
        %add3A_385 = arith.addf %add3A_370, %mul3A_384 : vector<16xf32>
        scf.yield %add3A_381, %add3A_383, %add3A_385 : vector<16xf32>, vector<16xf32>, vector<16xf32>
      }
      %scan3A_76 = arith.constant 4 : i32
      %max3A = arith.constant 1.000000e-24 : f32
      %max3A_77 = vector.broadcast %max3A : f32 to vector<16xf32>
      %max3A_78 = arith.maximumf %scan3A_75#1, %max3A_77 : vector<16xf32>
      %bitcast3A = vector.bitcast %max3A_78 : vector<16xf32> to vector<16xi32>
      %shift_right_arithmetic3A = arith.constant 1 : i32
      %shift_right_arithmetic3A_79 = vector.broadcast %shift_right_arithmetic3A : i32 to vector<16xi32>
      %shift_right_arithmetic3A_80 = arith.shrsi %bitcast3A, %shift_right_arithmetic3A_79 : vector<16xi32>
      %sub3A = arith.constant 1597463007 : i32
      %sub3A_81 = vector.broadcast %sub3A : i32 to vector<16xi32>
      %sub3A_82 = arith.subi %sub3A_81, %shift_right_arithmetic3A_80 : vector<16xi32>
      %bitcast3A_83 = vector.bitcast %sub3A_82 : vector<16xi32> to vector<16xf32>
      %mul3A_84 = arith.constant 5.000000e-01 : f32
      %mul3A_85 = vector.broadcast %mul3A_84 : f32 to vector<16xf32>
      %mul3A_86 = arith.mulf %mul3A_85, %max3A_78 : vector<16xf32>
      %mul3A_87 = arith.mulf %mul3A_86, %bitcast3A_83 : vector<16xf32>
      %mul3A_88 = arith.mulf %mul3A_87, %bitcast3A_83 : vector<16xf32>
      %sub3A_89 = arith.constant 1.500000e+00 : f32
      %sub3A_90 = vector.broadcast %sub3A_89 : f32 to vector<16xf32>
      %sub3A_91 = arith.subf %sub3A_90, %mul3A_88 : vector<16xf32>
      %mul3A_92 = arith.mulf %bitcast3A_83, %sub3A_91 : vector<16xf32>
      %mul3A_93 = arith.constant 5.000000e-01 : f32
      %mul3A_94 = vector.broadcast %mul3A_93 : f32 to vector<16xf32>
      %mul3A_95 = arith.mulf %mul3A_94, %max3A_78 : vector<16xf32>
      %mul3A_96 = arith.mulf %mul3A_95, %mul3A_92 : vector<16xf32>
      %mul3A_97 = arith.mulf %mul3A_96, %mul3A_92 : vector<16xf32>
      %sub3A_98 = arith.constant 1.500000e+00 : f32
      %sub3A_99 = vector.broadcast %sub3A_98 : f32 to vector<16xf32>
      %sub3A_100 = arith.subf %sub3A_99, %mul3A_97 : vector<16xf32>
      %mul3A_101 = arith.mulf %mul3A_92, %sub3A_100 : vector<16xf32>
      %max3A_102 = arith.constant 1.000000e-24 : f32
      %max3A_103 = vector.broadcast %max3A_102 : f32 to vector<16xf32>
      %max3A_104 = arith.maximumf %scan3A_75#2, %max3A_103 : vector<16xf32>
      %bitcast3A_105 = vector.bitcast %max3A_104 : vector<16xf32> to vector<16xi32>
      %shift_right_arithmetic3A_106 = arith.constant 1 : i32
      %shift_right_arithmetic3A_107 = vector.broadcast %shift_right_arithmetic3A_106 : i32 to vector<16xi32>
      %shift_right_arithmetic3A_108 = arith.shrsi %bitcast3A_105, %shift_right_arithmetic3A_107 : vector<16xi32>
      %sub3A_109 = arith.constant 1597463007 : i32
      %sub3A_110 = vector.broadcast %sub3A_109 : i32 to vector<16xi32>
      %sub3A_111 = arith.subi %sub3A_110, %shift_right_arithmetic3A_108 : vector<16xi32>
      %bitcast3A_112 = vector.bitcast %sub3A_111 : vector<16xi32> to vector<16xf32>
      %mul3A_113 = arith.constant 5.000000e-01 : f32
      %mul3A_114 = vector.broadcast %mul3A_113 : f32 to vector<16xf32>
      %mul3A_115 = arith.mulf %mul3A_114, %max3A_104 : vector<16xf32>
      %mul3A_116 = arith.mulf %mul3A_115, %bitcast3A_112 : vector<16xf32>
      %mul3A_117 = arith.mulf %mul3A_116, %bitcast3A_112 : vector<16xf32>
      %sub3A_118 = arith.constant 1.500000e+00 : f32
      %sub3A_119 = vector.broadcast %sub3A_118 : f32 to vector<16xf32>
      %sub3A_120 = arith.subf %sub3A_119, %mul3A_117 : vector<16xf32>
      %mul3A_121 = arith.mulf %bitcast3A_112, %sub3A_120 : vector<16xf32>
      %mul3A_122 = arith.constant 5.000000e-01 : f32
      %mul3A_123 = vector.broadcast %mul3A_122 : f32 to vector<16xf32>
      %mul3A_124 = arith.mulf %mul3A_123, %max3A_104 : vector<16xf32>
      %mul3A_125 = arith.mulf %mul3A_124, %mul3A_121 : vector<16xf32>
      %mul3A_126 = arith.mulf %mul3A_125, %mul3A_121 : vector<16xf32>
      %sub3A_127 = arith.constant 1.500000e+00 : f32
      %sub3A_128 = vector.broadcast %sub3A_127 : f32 to vector<16xf32>
      %sub3A_129 = arith.subf %sub3A_128, %mul3A_126 : vector<16xf32>
      %mul3A_130 = arith.mulf %mul3A_121, %sub3A_129 : vector<16xf32>
      %mul3A_131 = arith.mulf %mul3A_101, %mul3A_130 : vector<16xf32>
      %add3A_132 = arith.constant 0 : i32
      %add3A_133 = vector.broadcast %add3A_132 : i32 to vector<16xi32>
      %add3A_134 = arith.addi %add3A_133, %add3A_60 : vector<16xi32>
      %mul3A_135 = arith.mulf %scan3A_75#0, %mul3A_131 : vector<16xf32>
      %sub3A_136 = arith.constant 1.000000e+00 : f32
      %sub3A_137 = vector.broadcast %sub3A_136 : f32 to vector<16xf32>
      %sub3A_138 = arith.subf %sub3A_137, %mul3A_135 : vector<16xf32>
      tpu.vector_store_idx %arg8[%add3A_134], %sub3A_138 : memref<512xf32, #tpu.memory_space<vmem>>[vector<16xi32>], vector<16xf32>,
    }
    %scan3A_40 = arith.constant 16 : i32
    %dma_wait3A_41 = arith.constant 256 : i32
    %dma_wait3A_42 = tpu.memref_slice %arg7[%dma_wait3A_41] : memref<512xi32, #tpu.memory_space<vmem>> -> memref<256xi32, #tpu.memory_space<vmem>>
    %dma_wait3A_43 = arith.constant 0 : i32
    %dma_wait3A_44 = arith.constant 0 : i32
    %dma_wait3A_45 = tpu.memref_slice %arg4[%dma_wait3A_43, %dma_wait3A_44] : memref<505x128xf32, #tpu.memory_space<hbm>> -> memref<505x128xf32, #tpu.memory_space<hbm>>
    tpu.wait_indirect_dma semaphore(%arg14 : memref<!tpu.dma_semaphore, #tpu.memory_space<semaphore_mem>>) src(%dma_wait3A_45 : memref<505x128xf32, #tpu.memory_space<hbm>>) dst(%arg10 : memref<256x128xf32, #tpu.memory_space<vmem>>)
    %dma_wait3A_46 = arith.constant 0 : i32
    %dma_wait3A_47 = tpu.memref_slice %arg2[%dma_wait3A_46, %add3A_7] : memref<64x16384xf32, #tpu.memory_space<hbm>> -> memref<64x256xf32, #tpu.memory_space<hbm>>
    %dma_wait3A_48 = arith.constant 0 : i32
    %dma_wait3A_49 = tpu.memref_slice %arg2[%dma_wait3A_48, %add3A_7] : memref<64x16384xf32, #tpu.memory_space<hbm>> -> memref<64x256xf32, #tpu.memory_space<hbm>>
    tpu.wait_dma2 semaphore(%arg16 : memref<!tpu.dma_semaphore, #tpu.memory_space<semaphore_mem>>) src(%dma_wait3A_49 : memref<64x256xf32, #tpu.memory_space<hbm>>) dst(%arg12 : memref<64x256xf32, #tpu.memory_space<vmem>>)
    %scan3A_50 = arith.constant 0 : i32
    %scan3A_51 = arith.constant 0 : i32
    %scan3A_52 = arith.constant 16 : i32
    %scan3A_53 = arith.addi %scan3A_51, %scan3A_52 : i32
    %scan3A_54 = arith.constant 1 : i32
    scf.for %scan3A_56 = %scan3A_51 to %scan3A_53 step %scan3A_54  : i32 {
      %mul3A_57 = arith.constant 16 : i32
      %mul3A_58 = arith.muli %scan3A_56, %mul3A_57 : i32
      %add3A_59 = vector.broadcast %mul3A_58 : i32 to vector<16xi32>
      %add3A_60 = arith.addi %add3A_59, %iota3A : vector<16xi32>
      %mul3A_61 = arith.constant 16 : i32
      %mul3A_62 = arith.muli %scan3A_56, %mul3A_61 : i32
      %add3A_63 = arith.constant 256 : i32
      %add3A_64 = arith.addi %add3A_63, %mul3A_62 : i32
      %get3A = arith.index_cast %add3A_64 : i32 to index
      %get3A_65 = tpu.vector_load %arg6[%get3A] {strides = array<i32>} : memref<512xi32, #tpu.memory_space<vmem>>, vector<16xi32>,
      %and3A = arith.constant 1 : i32
      %and3A_66 = vector.broadcast %and3A : i32 to vector<16xi32>
      %and3A_67 = arith.andi %get3A_65, %and3A_66 : vector<16xi32>
      %shift_left3A = arith.constant 6 : i32
      %shift_left3A_68 = vector.broadcast %shift_left3A : i32 to vector<16xi32>
      %shift_left3A_69 = arith.shli %and3A_67, %shift_left3A_68 : vector<16xi32>
      %broadcast_in_dim3A = arith.constant 0.000000e+00 : f32
      %broadcast_in_dim3A_70 = vector.broadcast %broadcast_in_dim3A : f32 to vector<16xf32>
      %scan3A_71 = arith.constant 0 : i32
      %scan3A_72 = arith.constant 4 : i32
      %scan3A_73 = arith.addi %scan3A_71, %scan3A_72 : i32
      %scan3A_74 = arith.constant 1 : i32
      %scan3A_75:3 = scf.for %scan3A_139 = %scan3A_71 to %scan3A_73 step %scan3A_74 iter_args(%scan3A_140 = %broadcast_in_dim3A_70, %scan3A_141 = %broadcast_in_dim3A_70, %scan3A_142 = %broadcast_in_dim3A_70) -> (vector<16xf32>, vector<16xf32>, vector<16xf32>)  : i32 {
        %mul3A_143 = arith.constant 16 : i32
        %mul3A_144 = arith.muli %scan3A_139, %mul3A_143 : i32
        %add3A_145 = vector.broadcast %mul3A_144 : i32 to vector<16xi32>
        %add3A_146 = arith.addi %iota3A, %add3A_145 : vector<16xi32>
        %add3A_147 = arith.constant 0 : i32
        %add3A_148 = vector.broadcast %add3A_147 : i32 to vector<16xi32>
        %add3A_149 = arith.addi %add3A_146, %add3A_148 : vector<16xi32>
        %and3A_150 = arith.constant 63 : i32
        %and3A_151 = vector.broadcast %and3A_150 : i32 to vector<16xi32>
        %and3A_152 = arith.andi %add3A_149, %and3A_151 : vector<16xi32>
        %add3A_153 = arith.addi %shift_left3A_69, %and3A_152 : vector<16xi32>
        %gather3A = tpu.vector_load_idx %arg10[%add3A_60, %add3A_153] : memref<256x128xf32, #tpu.memory_space<vmem>>[vector<16xi32>, vector<16xi32>], vector<16xf32>,
        %gather3A_154 = tpu.vector_load_idx %arg12[%and3A_152, %add3A_60] : memref<64x256xf32, #tpu.memory_space<vmem>>[vector<16xi32>, vector<16xi32>], vector<16xf32>,
        %mul3A_155 = arith.mulf %gather3A, %gather3A_154 : vector<16xf32>
        %add3A_156 = arith.addf %scan3A_140, %mul3A_155 : vector<16xf32>
        %mul3A_157 = arith.mulf %gather3A, %gather3A : vector<16xf32>
        %add3A_158 = arith.addf %scan3A_141, %mul3A_157 : vector<16xf32>
        %mul3A_159 = arith.mulf %gather3A_154, %gather3A_154 : vector<16xf32>
        %add3A_160 = arith.addf %scan3A_142, %mul3A_159 : vector<16xf32>
        %add3A_161 = arith.constant 1 : i32
        %add3A_162 = vector.broadcast %add3A_161 : i32 to vector<16xi32>
        %add3A_163 = arith.addi %add3A_146, %add3A_162 : vector<16xi32>
        %and3A_164 = arith.constant 63 : i32
        %and3A_165 = vector.broadcast %and3A_164 : i32 to vector<16xi32>
        %and3A_166 = arith.andi %add3A_163, %and3A_165 : vector<16xi32>
        %add3A_167 = arith.addi %shift_left3A_69, %and3A_166 : vector<16xi32>
        %gather3A_168 = tpu.vector_load_idx %arg10[%add3A_60, %add3A_167] : memref<256x128xf32, #tpu.memory_space<vmem>>[vector<16xi32>, vector<16xi32>], vector<16xf32>,
        %gather3A_169 = tpu.vector_load_idx %arg12[%and3A_166, %add3A_60] : memref<64x256xf32, #tpu.memory_space<vmem>>[vector<16xi32>, vector<16xi32>], vector<16xf32>,
        %mul3A_170 = arith.mulf %gather3A_168, %gather3A_169 : vector<16xf32>
        %add3A_171 = arith.addf %add3A_156, %mul3A_170 : vector<16xf32>
        %mul3A_172 = arith.mulf %gather3A_168, %gather3A_168 : vector<16xf32>
        %add3A_173 = arith.addf %add3A_158, %mul3A_172 : vector<16xf32>
        %mul3A_174 = arith.mulf %gather3A_169, %gather3A_169 : vector<16xf32>
        %add3A_175 = arith.addf %add3A_160, %mul3A_174 : vector<16xf32>
        %add3A_176 = arith.constant 2 : i32
        %add3A_177 = vector.broadcast %add3A_176 : i32 to vector<16xi32>
        %add3A_178 = arith.addi %add3A_146, %add3A_177 : vector<16xi32>
        %and3A_179 = arith.constant 63 : i32
        %and3A_180 = vector.broadcast %and3A_179 : i32 to vector<16xi32>
        %and3A_181 = arith.andi %add3A_178, %and3A_180 : vector<16xi32>
        %add3A_182 = arith.addi %shift_left3A_69, %and3A_181 : vector<16xi32>
        %gather3A_183 = tpu.vector_load_idx %arg10[%add3A_60, %add3A_182] : memref<256x128xf32, #tpu.memory_space<vmem>>[vector<16xi32>, vector<16xi32>], vector<16xf32>,
        %gather3A_184 = tpu.vector_load_idx %arg12[%and3A_181, %add3A_60] : memref<64x256xf32, #tpu.memory_space<vmem>>[vector<16xi32>, vector<16xi32>], vector<16xf32>,
        %mul3A_185 = arith.mulf %gather3A_183, %gather3A_184 : vector<16xf32>
        %add3A_186 = arith.addf %add3A_171, %mul3A_185 : vector<16xf32>
        %mul3A_187 = arith.mulf %gather3A_183, %gather3A_183 : vector<16xf32>
        %add3A_188 = arith.addf %add3A_173, %mul3A_187 : vector<16xf32>
        %mul3A_189 = arith.mulf %gather3A_184, %gather3A_184 : vector<16xf32>
        %add3A_190 = arith.addf %add3A_175, %mul3A_189 : vector<16xf32>
        %add3A_191 = arith.constant 3 : i32
        %add3A_192 = vector.broadcast %add3A_191 : i32 to vector<16xi32>
        %add3A_193 = arith.addi %add3A_146, %add3A_192 : vector<16xi32>
        %and3A_194 = arith.constant 63 : i32
        %and3A_195 = vector.broadcast %and3A_194 : i32 to vector<16xi32>
        %and3A_196 = arith.andi %add3A_193, %and3A_195 : vector<16xi32>
        %add3A_197 = arith.addi %shift_left3A_69, %and3A_196 : vector<16xi32>
        %gather3A_198 = tpu.vector_load_idx %arg10[%add3A_60, %add3A_197] : memref<256x128xf32, #tpu.memory_space<vmem>>[vector<16xi32>, vector<16xi32>], vector<16xf32>,
        %gather3A_199 = tpu.vector_load_idx %arg12[%and3A_196, %add3A_60] : memref<64x256xf32, #tpu.memory_space<vmem>>[vector<16xi32>, vector<16xi32>], vector<16xf32>,
        %mul3A_200 = arith.mulf %gather3A_198, %gather3A_199 : vector<16xf32>
        %add3A_201 = arith.addf %add3A_186, %mul3A_200 : vector<16xf32>
        %mul3A_202 = arith.mulf %gather3A_198, %gather3A_198 : vector<16xf32>
        %add3A_203 = arith.addf %add3A_188, %mul3A_202 : vector<16xf32>
        %mul3A_204 = arith.mulf %gather3A_199, %gather3A_199 : vector<16xf32>
        %add3A_205 = arith.addf %add3A_190, %mul3A_204 : vector<16xf32>
        %add3A_206 = arith.constant 4 : i32
        %add3A_207 = vector.broadcast %add3A_206 : i32 to vector<16xi32>
        %add3A_208 = arith.addi %add3A_146, %add3A_207 : vector<16xi32>
        %and3A_209 = arith.constant 63 : i32
        %and3A_210 = vector.broadcast %and3A_209 : i32 to vector<16xi32>
        %and3A_211 = arith.andi %add3A_208, %and3A_210 : vector<16xi32>
        %add3A_212 = arith.addi %shift_left3A_69, %and3A_211 : vector<16xi32>
        %gather3A_213 = tpu.vector_load_idx %arg10[%add3A_60, %add3A_212] : memref<256x128xf32, #tpu.memory_space<vmem>>[vector<16xi32>, vector<16xi32>], vector<16xf32>,
        %gather3A_214 = tpu.vector_load_idx %arg12[%and3A_211, %add3A_60] : memref<64x256xf32, #tpu.memory_space<vmem>>[vector<16xi32>, vector<16xi32>], vector<16xf32>,
        %mul3A_215 = arith.mulf %gather3A_213, %gather3A_214 : vector<16xf32>
        %add3A_216 = arith.addf %add3A_201, %mul3A_215 : vector<16xf32>
        %mul3A_217 = arith.mulf %gather3A_213, %gather3A_213 : vector<16xf32>
        %add3A_218 = arith.addf %add3A_203, %mul3A_217 : vector<16xf32>
        %mul3A_219 = arith.mulf %gather3A_214, %gather3A_214 : vector<16xf32>
        %add3A_220 = arith.addf %add3A_205, %mul3A_219 : vector<16xf32>
        %add3A_221 = arith.constant 5 : i32
        %add3A_222 = vector.broadcast %add3A_221 : i32 to vector<16xi32>
        %add3A_223 = arith.addi %add3A_146, %add3A_222 : vector<16xi32>
        %and3A_224 = arith.constant 63 : i32
        %and3A_225 = vector.broadcast %and3A_224 : i32 to vector<16xi32>
        %and3A_226 = arith.andi %add3A_223, %and3A_225 : vector<16xi32>
        %add3A_227 = arith.addi %shift_left3A_69, %and3A_226 : vector<16xi32>
        %gather3A_228 = tpu.vector_load_idx %arg10[%add3A_60, %add3A_227] : memref<256x128xf32, #tpu.memory_space<vmem>>[vector<16xi32>, vector<16xi32>], vector<16xf32>,
        %gather3A_229 = tpu.vector_load_idx %arg12[%and3A_226, %add3A_60] : memref<64x256xf32, #tpu.memory_space<vmem>>[vector<16xi32>, vector<16xi32>], vector<16xf32>,
        %mul3A_230 = arith.mulf %gather3A_228, %gather3A_229 : vector<16xf32>
        %add3A_231 = arith.addf %add3A_216, %mul3A_230 : vector<16xf32>
        %mul3A_232 = arith.mulf %gather3A_228, %gather3A_228 : vector<16xf32>
        %add3A_233 = arith.addf %add3A_218, %mul3A_232 : vector<16xf32>
        %mul3A_234 = arith.mulf %gather3A_229, %gather3A_229 : vector<16xf32>
        %add3A_235 = arith.addf %add3A_220, %mul3A_234 : vector<16xf32>
        %add3A_236 = arith.constant 6 : i32
        %add3A_237 = vector.broadcast %add3A_236 : i32 to vector<16xi32>
        %add3A_238 = arith.addi %add3A_146, %add3A_237 : vector<16xi32>
        %and3A_239 = arith.constant 63 : i32
        %and3A_240 = vector.broadcast %and3A_239 : i32 to vector<16xi32>
        %and3A_241 = arith.andi %add3A_238, %and3A_240 : vector<16xi32>
        %add3A_242 = arith.addi %shift_left3A_69, %and3A_241 : vector<16xi32>
        %gather3A_243 = tpu.vector_load_idx %arg10[%add3A_60, %add3A_242] : memref<256x128xf32, #tpu.memory_space<vmem>>[vector<16xi32>, vector<16xi32>], vector<16xf32>,
        %gather3A_244 = tpu.vector_load_idx %arg12[%and3A_241, %add3A_60] : memref<64x256xf32, #tpu.memory_space<vmem>>[vector<16xi32>, vector<16xi32>], vector<16xf32>,
        %mul3A_245 = arith.mulf %gather3A_243, %gather3A_244 : vector<16xf32>
        %add3A_246 = arith.addf %add3A_231, %mul3A_245 : vector<16xf32>
        %mul3A_247 = arith.mulf %gather3A_243, %gather3A_243 : vector<16xf32>
        %add3A_248 = arith.addf %add3A_233, %mul3A_247 : vector<16xf32>
        %mul3A_249 = arith.mulf %gather3A_244, %gather3A_244 : vector<16xf32>
        %add3A_250 = arith.addf %add3A_235, %mul3A_249 : vector<16xf32>
        %add3A_251 = arith.constant 7 : i32
        %add3A_252 = vector.broadcast %add3A_251 : i32 to vector<16xi32>
        %add3A_253 = arith.addi %add3A_146, %add3A_252 : vector<16xi32>
        %and3A_254 = arith.constant 63 : i32
        %and3A_255 = vector.broadcast %and3A_254 : i32 to vector<16xi32>
        %and3A_256 = arith.andi %add3A_253, %and3A_255 : vector<16xi32>
        %add3A_257 = arith.addi %shift_left3A_69, %and3A_256 : vector<16xi32>
        %gather3A_258 = tpu.vector_load_idx %arg10[%add3A_60, %add3A_257] : memref<256x128xf32, #tpu.memory_space<vmem>>[vector<16xi32>, vector<16xi32>], vector<16xf32>,
        %gather3A_259 = tpu.vector_load_idx %arg12[%and3A_256, %add3A_60] : memref<64x256xf32, #tpu.memory_space<vmem>>[vector<16xi32>, vector<16xi32>], vector<16xf32>,
        %mul3A_260 = arith.mulf %gather3A_258, %gather3A_259 : vector<16xf32>
        %add3A_261 = arith.addf %add3A_246, %mul3A_260 : vector<16xf32>
        %mul3A_262 = arith.mulf %gather3A_258, %gather3A_258 : vector<16xf32>
        %add3A_263 = arith.addf %add3A_248, %mul3A_262 : vector<16xf32>
        %mul3A_264 = arith.mulf %gather3A_259, %gather3A_259 : vector<16xf32>
        %add3A_265 = arith.addf %add3A_250, %mul3A_264 : vector<16xf32>
        %add3A_266 = arith.constant 8 : i32
        %add3A_267 = vector.broadcast %add3A_266 : i32 to vector<16xi32>
        %add3A_268 = arith.addi %add3A_146, %add3A_267 : vector<16xi32>
        %and3A_269 = arith.constant 63 : i32
        %and3A_270 = vector.broadcast %and3A_269 : i32 to vector<16xi32>
        %and3A_271 = arith.andi %add3A_268, %and3A_270 : vector<16xi32>
        %add3A_272 = arith.addi %shift_left3A_69, %and3A_271 : vector<16xi32>
        %gather3A_273 = tpu.vector_load_idx %arg10[%add3A_60, %add3A_272] : memref<256x128xf32, #tpu.memory_space<vmem>>[vector<16xi32>, vector<16xi32>], vector<16xf32>,
        %gather3A_274 = tpu.vector_load_idx %arg12[%and3A_271, %add3A_60] : memref<64x256xf32, #tpu.memory_space<vmem>>[vector<16xi32>, vector<16xi32>], vector<16xf32>,
        %mul3A_275 = arith.mulf %gather3A_273, %gather3A_274 : vector<16xf32>
        %add3A_276 = arith.addf %add3A_261, %mul3A_275 : vector<16xf32>
        %mul3A_277 = arith.mulf %gather3A_273, %gather3A_273 : vector<16xf32>
        %add3A_278 = arith.addf %add3A_263, %mul3A_277 : vector<16xf32>
        %mul3A_279 = arith.mulf %gather3A_274, %gather3A_274 : vector<16xf32>
        %add3A_280 = arith.addf %add3A_265, %mul3A_279 : vector<16xf32>
        %add3A_281 = arith.constant 9 : i32
        %add3A_282 = vector.broadcast %add3A_281 : i32 to vector<16xi32>
        %add3A_283 = arith.addi %add3A_146, %add3A_282 : vector<16xi32>
        %and3A_284 = arith.constant 63 : i32
        %and3A_285 = vector.broadcast %and3A_284 : i32 to vector<16xi32>
        %and3A_286 = arith.andi %add3A_283, %and3A_285 : vector<16xi32>
        %add3A_287 = arith.addi %shift_left3A_69, %and3A_286 : vector<16xi32>
        %gather3A_288 = tpu.vector_load_idx %arg10[%add3A_60, %add3A_287] : memref<256x128xf32, #tpu.memory_space<vmem>>[vector<16xi32>, vector<16xi32>], vector<16xf32>,
        %gather3A_289 = tpu.vector_load_idx %arg12[%and3A_286, %add3A_60] : memref<64x256xf32, #tpu.memory_space<vmem>>[vector<16xi32>, vector<16xi32>], vector<16xf32>,
        %mul3A_290 = arith.mulf %gather3A_288, %gather3A_289 : vector<16xf32>
        %add3A_291 = arith.addf %add3A_276, %mul3A_290 : vector<16xf32>
        %mul3A_292 = arith.mulf %gather3A_288, %gather3A_288 : vector<16xf32>
        %add3A_293 = arith.addf %add3A_278, %mul3A_292 : vector<16xf32>
        %mul3A_294 = arith.mulf %gather3A_289, %gather3A_289 : vector<16xf32>
        %add3A_295 = arith.addf %add3A_280, %mul3A_294 : vector<16xf32>
        %add3A_296 = arith.constant 10 : i32
        %add3A_297 = vector.broadcast %add3A_296 : i32 to vector<16xi32>
        %add3A_298 = arith.addi %add3A_146, %add3A_297 : vector<16xi32>
        %and3A_299 = arith.constant 63 : i32
        %and3A_300 = vector.broadcast %and3A_299 : i32 to vector<16xi32>
        %and3A_301 = arith.andi %add3A_298, %and3A_300 : vector<16xi32>
        %add3A_302 = arith.addi %shift_left3A_69, %and3A_301 : vector<16xi32>
        %gather3A_303 = tpu.vector_load_idx %arg10[%add3A_60, %add3A_302] : memref<256x128xf32, #tpu.memory_space<vmem>>[vector<16xi32>, vector<16xi32>], vector<16xf32>,
        %gather3A_304 = tpu.vector_load_idx %arg12[%and3A_301, %add3A_60] : memref<64x256xf32, #tpu.memory_space<vmem>>[vector<16xi32>, vector<16xi32>], vector<16xf32>,
        %mul3A_305 = arith.mulf %gather3A_303, %gather3A_304 : vector<16xf32>
        %add3A_306 = arith.addf %add3A_291, %mul3A_305 : vector<16xf32>
        %mul3A_307 = arith.mulf %gather3A_303, %gather3A_303 : vector<16xf32>
        %add3A_308 = arith.addf %add3A_293, %mul3A_307 : vector<16xf32>
        %mul3A_309 = arith.mulf %gather3A_304, %gather3A_304 : vector<16xf32>
        %add3A_310 = arith.addf %add3A_295, %mul3A_309 : vector<16xf32>
        %add3A_311 = arith.constant 11 : i32
        %add3A_312 = vector.broadcast %add3A_311 : i32 to vector<16xi32>
        %add3A_313 = arith.addi %add3A_146, %add3A_312 : vector<16xi32>
        %and3A_314 = arith.constant 63 : i32
        %and3A_315 = vector.broadcast %and3A_314 : i32 to vector<16xi32>
        %and3A_316 = arith.andi %add3A_313, %and3A_315 : vector<16xi32>
        %add3A_317 = arith.addi %shift_left3A_69, %and3A_316 : vector<16xi32>
        %gather3A_318 = tpu.vector_load_idx %arg10[%add3A_60, %add3A_317] : memref<256x128xf32, #tpu.memory_space<vmem>>[vector<16xi32>, vector<16xi32>], vector<16xf32>,
        %gather3A_319 = tpu.vector_load_idx %arg12[%and3A_316, %add3A_60] : memref<64x256xf32, #tpu.memory_space<vmem>>[vector<16xi32>, vector<16xi32>], vector<16xf32>,
        %mul3A_320 = arith.mulf %gather3A_318, %gather3A_319 : vector<16xf32>
        %add3A_321 = arith.addf %add3A_306, %mul3A_320 : vector<16xf32>
        %mul3A_322 = arith.mulf %gather3A_318, %gather3A_318 : vector<16xf32>
        %add3A_323 = arith.addf %add3A_308, %mul3A_322 : vector<16xf32>
        %mul3A_324 = arith.mulf %gather3A_319, %gather3A_319 : vector<16xf32>
        %add3A_325 = arith.addf %add3A_310, %mul3A_324 : vector<16xf32>
        %add3A_326 = arith.constant 12 : i32
        %add3A_327 = vector.broadcast %add3A_326 : i32 to vector<16xi32>
        %add3A_328 = arith.addi %add3A_146, %add3A_327 : vector<16xi32>
        %and3A_329 = arith.constant 63 : i32
        %and3A_330 = vector.broadcast %and3A_329 : i32 to vector<16xi32>
        %and3A_331 = arith.andi %add3A_328, %and3A_330 : vector<16xi32>
        %add3A_332 = arith.addi %shift_left3A_69, %and3A_331 : vector<16xi32>
        %gather3A_333 = tpu.vector_load_idx %arg10[%add3A_60, %add3A_332] : memref<256x128xf32, #tpu.memory_space<vmem>>[vector<16xi32>, vector<16xi32>], vector<16xf32>,
        %gather3A_334 = tpu.vector_load_idx %arg12[%and3A_331, %add3A_60] : memref<64x256xf32, #tpu.memory_space<vmem>>[vector<16xi32>, vector<16xi32>], vector<16xf32>,
        %mul3A_335 = arith.mulf %gather3A_333, %gather3A_334 : vector<16xf32>
        %add3A_336 = arith.addf %add3A_321, %mul3A_335 : vector<16xf32>
        %mul3A_337 = arith.mulf %gather3A_333, %gather3A_333 : vector<16xf32>
        %add3A_338 = arith.addf %add3A_323, %mul3A_337 : vector<16xf32>
        %mul3A_339 = arith.mulf %gather3A_334, %gather3A_334 : vector<16xf32>
        %add3A_340 = arith.addf %add3A_325, %mul3A_339 : vector<16xf32>
        %add3A_341 = arith.constant 13 : i32
        %add3A_342 = vector.broadcast %add3A_341 : i32 to vector<16xi32>
        %add3A_343 = arith.addi %add3A_146, %add3A_342 : vector<16xi32>
        %and3A_344 = arith.constant 63 : i32
        %and3A_345 = vector.broadcast %and3A_344 : i32 to vector<16xi32>
        %and3A_346 = arith.andi %add3A_343, %and3A_345 : vector<16xi32>
        %add3A_347 = arith.addi %shift_left3A_69, %and3A_346 : vector<16xi32>
        %gather3A_348 = tpu.vector_load_idx %arg10[%add3A_60, %add3A_347] : memref<256x128xf32, #tpu.memory_space<vmem>>[vector<16xi32>, vector<16xi32>], vector<16xf32>,
        %gather3A_349 = tpu.vector_load_idx %arg12[%and3A_346, %add3A_60] : memref<64x256xf32, #tpu.memory_space<vmem>>[vector<16xi32>, vector<16xi32>], vector<16xf32>,
        %mul3A_350 = arith.mulf %gather3A_348, %gather3A_349 : vector<16xf32>
        %add3A_351 = arith.addf %add3A_336, %mul3A_350 : vector<16xf32>
        %mul3A_352 = arith.mulf %gather3A_348, %gather3A_348 : vector<16xf32>
        %add3A_353 = arith.addf %add3A_338, %mul3A_352 : vector<16xf32>
        %mul3A_354 = arith.mulf %gather3A_349, %gather3A_349 : vector<16xf32>
        %add3A_355 = arith.addf %add3A_340, %mul3A_354 : vector<16xf32>
        %add3A_356 = arith.constant 14 : i32
        %add3A_357 = vector.broadcast %add3A_356 : i32 to vector<16xi32>
        %add3A_358 = arith.addi %add3A_146, %add3A_357 : vector<16xi32>
        %and3A_359 = arith.constant 63 : i32
        %and3A_360 = vector.broadcast %and3A_359 : i32 to vector<16xi32>
        %and3A_361 = arith.andi %add3A_358, %and3A_360 : vector<16xi32>
        %add3A_362 = arith.addi %shift_left3A_69, %and3A_361 : vector<16xi32>
        %gather3A_363 = tpu.vector_load_idx %arg10[%add3A_60, %add3A_362] : memref<256x128xf32, #tpu.memory_space<vmem>>[vector<16xi32>, vector<16xi32>], vector<16xf32>,
        %gather3A_364 = tpu.vector_load_idx %arg12[%and3A_361, %add3A_60] : memref<64x256xf32, #tpu.memory_space<vmem>>[vector<16xi32>, vector<16xi32>], vector<16xf32>,
        %mul3A_365 = arith.mulf %gather3A_363, %gather3A_364 : vector<16xf32>
        %add3A_366 = arith.addf %add3A_351, %mul3A_365 : vector<16xf32>
        %mul3A_367 = arith.mulf %gather3A_363, %gather3A_363 : vector<16xf32>
        %add3A_368 = arith.addf %add3A_353, %mul3A_367 : vector<16xf32>
        %mul3A_369 = arith.mulf %gather3A_364, %gather3A_364 : vector<16xf32>
        %add3A_370 = arith.addf %add3A_355, %mul3A_369 : vector<16xf32>
        %add3A_371 = arith.constant 15 : i32
        %add3A_372 = vector.broadcast %add3A_371 : i32 to vector<16xi32>
        %add3A_373 = arith.addi %add3A_146, %add3A_372 : vector<16xi32>
        %and3A_374 = arith.constant 63 : i32
        %and3A_375 = vector.broadcast %and3A_374 : i32 to vector<16xi32>
        %and3A_376 = arith.andi %add3A_373, %and3A_375 : vector<16xi32>
        %add3A_377 = arith.addi %shift_left3A_69, %and3A_376 : vector<16xi32>
        %gather3A_378 = tpu.vector_load_idx %arg10[%add3A_60, %add3A_377] : memref<256x128xf32, #tpu.memory_space<vmem>>[vector<16xi32>, vector<16xi32>], vector<16xf32>,
        %gather3A_379 = tpu.vector_load_idx %arg12[%and3A_376, %add3A_60] : memref<64x256xf32, #tpu.memory_space<vmem>>[vector<16xi32>, vector<16xi32>], vector<16xf32>,
        %mul3A_380 = arith.mulf %gather3A_378, %gather3A_379 : vector<16xf32>
        %add3A_381 = arith.addf %add3A_366, %mul3A_380 : vector<16xf32>
        %mul3A_382 = arith.mulf %gather3A_378, %gather3A_378 : vector<16xf32>
        %add3A_383 = arith.addf %add3A_368, %mul3A_382 : vector<16xf32>
        %mul3A_384 = arith.mulf %gather3A_379, %gather3A_379 : vector<16xf32>
        %add3A_385 = arith.addf %add3A_370, %mul3A_384 : vector<16xf32>
        scf.yield %add3A_381, %add3A_383, %add3A_385 : vector<16xf32>, vector<16xf32>, vector<16xf32>
      }
      %scan3A_76 = arith.constant 4 : i32
      %max3A = arith.constant 1.000000e-24 : f32
      %max3A_77 = vector.broadcast %max3A : f32 to vector<16xf32>
      %max3A_78 = arith.maximumf %scan3A_75#1, %max3A_77 : vector<16xf32>
      %bitcast3A = vector.bitcast %max3A_78 : vector<16xf32> to vector<16xi32>
      %shift_right_arithmetic3A = arith.constant 1 : i32
      %shift_right_arithmetic3A_79 = vector.broadcast %shift_right_arithmetic3A : i32 to vector<16xi32>
      %shift_right_arithmetic3A_80 = arith.shrsi %bitcast3A, %shift_right_arithmetic3A_79 : vector<16xi32>
      %sub3A = arith.constant 1597463007 : i32
      %sub3A_81 = vector.broadcast %sub3A : i32 to vector<16xi32>
      %sub3A_82 = arith.subi %sub3A_81, %shift_right_arithmetic3A_80 : vector<16xi32>
      %bitcast3A_83 = vector.bitcast %sub3A_82 : vector<16xi32> to vector<16xf32>
      %mul3A_84 = arith.constant 5.000000e-01 : f32
      %mul3A_85 = vector.broadcast %mul3A_84 : f32 to vector<16xf32>
      %mul3A_86 = arith.mulf %mul3A_85, %max3A_78 : vector<16xf32>
      %mul3A_87 = arith.mulf %mul3A_86, %bitcast3A_83 : vector<16xf32>
      %mul3A_88 = arith.mulf %mul3A_87, %bitcast3A_83 : vector<16xf32>
      %sub3A_89 = arith.constant 1.500000e+00 : f32
      %sub3A_90 = vector.broadcast %sub3A_89 : f32 to vector<16xf32>
      %sub3A_91 = arith.subf %sub3A_90, %mul3A_88 : vector<16xf32>
      %mul3A_92 = arith.mulf %bitcast3A_83, %sub3A_91 : vector<16xf32>
      %mul3A_93 = arith.constant 5.000000e-01 : f32
      %mul3A_94 = vector.broadcast %mul3A_93 : f32 to vector<16xf32>
      %mul3A_95 = arith.mulf %mul3A_94, %max3A_78 : vector<16xf32>
      %mul3A_96 = arith.mulf %mul3A_95, %mul3A_92 : vector<16xf32>
      %mul3A_97 = arith.mulf %mul3A_96, %mul3A_92 : vector<16xf32>
      %sub3A_98 = arith.constant 1.500000e+00 : f32
      %sub3A_99 = vector.broadcast %sub3A_98 : f32 to vector<16xf32>
      %sub3A_100 = arith.subf %sub3A_99, %mul3A_97 : vector<16xf32>
      %mul3A_101 = arith.mulf %mul3A_92, %sub3A_100 : vector<16xf32>
      %max3A_102 = arith.constant 1.000000e-24 : f32
      %max3A_103 = vector.broadcast %max3A_102 : f32 to vector<16xf32>
      %max3A_104 = arith.maximumf %scan3A_75#2, %max3A_103 : vector<16xf32>
      %bitcast3A_105 = vector.bitcast %max3A_104 : vector<16xf32> to vector<16xi32>
      %shift_right_arithmetic3A_106 = arith.constant 1 : i32
      %shift_right_arithmetic3A_107 = vector.broadcast %shift_right_arithmetic3A_106 : i32 to vector<16xi32>
      %shift_right_arithmetic3A_108 = arith.shrsi %bitcast3A_105, %shift_right_arithmetic3A_107 : vector<16xi32>
      %sub3A_109 = arith.constant 1597463007 : i32
      %sub3A_110 = vector.broadcast %sub3A_109 : i32 to vector<16xi32>
      %sub3A_111 = arith.subi %sub3A_110, %shift_right_arithmetic3A_108 : vector<16xi32>
      %bitcast3A_112 = vector.bitcast %sub3A_111 : vector<16xi32> to vector<16xf32>
      %mul3A_113 = arith.constant 5.000000e-01 : f32
      %mul3A_114 = vector.broadcast %mul3A_113 : f32 to vector<16xf32>
      %mul3A_115 = arith.mulf %mul3A_114, %max3A_104 : vector<16xf32>
      %mul3A_116 = arith.mulf %mul3A_115, %bitcast3A_112 : vector<16xf32>
      %mul3A_117 = arith.mulf %mul3A_116, %bitcast3A_112 : vector<16xf32>
      %sub3A_118 = arith.constant 1.500000e+00 : f32
      %sub3A_119 = vector.broadcast %sub3A_118 : f32 to vector<16xf32>
      %sub3A_120 = arith.subf %sub3A_119, %mul3A_117 : vector<16xf32>
      %mul3A_121 = arith.mulf %bitcast3A_112, %sub3A_120 : vector<16xf32>
      %mul3A_122 = arith.constant 5.000000e-01 : f32
      %mul3A_123 = vector.broadcast %mul3A_122 : f32 to vector<16xf32>
      %mul3A_124 = arith.mulf %mul3A_123, %max3A_104 : vector<16xf32>
      %mul3A_125 = arith.mulf %mul3A_124, %mul3A_121 : vector<16xf32>
      %mul3A_126 = arith.mulf %mul3A_125, %mul3A_121 : vector<16xf32>
      %sub3A_127 = arith.constant 1.500000e+00 : f32
      %sub3A_128 = vector.broadcast %sub3A_127 : f32 to vector<16xf32>
      %sub3A_129 = arith.subf %sub3A_128, %mul3A_126 : vector<16xf32>
      %mul3A_130 = arith.mulf %mul3A_121, %sub3A_129 : vector<16xf32>
      %mul3A_131 = arith.mulf %mul3A_101, %mul3A_130 : vector<16xf32>
      %add3A_132 = arith.constant 256 : i32
      %add3A_133 = vector.broadcast %add3A_132 : i32 to vector<16xi32>
      %add3A_134 = arith.addi %add3A_133, %add3A_60 : vector<16xi32>
      %mul3A_135 = arith.mulf %scan3A_75#0, %mul3A_131 : vector<16xf32>
      %sub3A_136 = arith.constant 1.000000e+00 : f32
      %sub3A_137 = vector.broadcast %sub3A_136 : f32 to vector<16xf32>
      %sub3A_138 = arith.subf %sub3A_137, %mul3A_135 : vector<16xf32>
      tpu.vector_store_idx %arg8[%add3A_134], %sub3A_138 : memref<512xf32, #tpu.memory_space<vmem>>[vector<16xi32>], vector<16xf32>,
    }
    %scan3A_55 = arith.constant 16 : i32
    "tpu.region"() ({
      %run_scoped3A = tpu.sem_alloc : memref<!tpu.dma_semaphore, #tpu.memory_space<semaphore_mem>>
      %dma_start3A_56 = tpu.memref_slice %arg5[%mul3A_2] : memref<16384xf32, #tpu.memory_space<hbm>> -> memref<512xf32, #tpu.memory_space<hbm>>
      %dma_start3A_57 = tpu.memref_slice %arg5[%mul3A_2] : memref<16384xf32, #tpu.memory_space<hbm>> -> memref<512xf32, #tpu.memory_space<hbm>>
      tpu.enqueue_dma source(%arg8 : memref<512xf32, #tpu.memory_space<vmem>>) target(%dma_start3A_57 : memref<512xf32, #tpu.memory_space<hbm>>) target_semaphore(%run_scoped3A : memref<!tpu.dma_semaphore, #tpu.memory_space<semaphore_mem>>)
      %dma_wait3A_58 = tpu.memref_slice %arg5[%mul3A_2] : memref<16384xf32, #tpu.memory_space<hbm>> -> memref<512xf32, #tpu.memory_space<hbm>>
      %dma_wait3A_59 = tpu.memref_slice %arg5[%mul3A_2] : memref<16384xf32, #tpu.memory_space<hbm>> -> memref<512xf32, #tpu.memory_space<hbm>>
      tpu.wait_dma2 semaphore(%run_scoped3A : memref<!tpu.dma_semaphore, #tpu.memory_space<semaphore_mem>>) src(%arg8 : memref<512xf32, #tpu.memory_space<vmem>>) dst(%dma_wait3A_59 : memref<512xf32, #tpu.memory_space<hbm>>)
      tpu.yield
    }) : () -> ()
    return
  }
}

</mosaic_0001>

<sc_bundles>
// kernel: kernel.3.cloned.1.call-start
scs
__scs_entry_jumppad:
0x0: {  	(pc) =	sbr.rel $0x88, $3  }
0x1: {  	(tag) =	ssettag $0x0;
	lr =	simm.s32 $0x1  }
0x2: {  	[smem:$0x3F9E] =	sst lr;
	_ =	strace $0xD0000000  }
0x3: {  	_ = 	snop  }
0x4: {  	_ = 	snop  }
0x5: {  	_ = 	snop  }
0x6: {  	_ = 	snop  }
0x7: {  	_ = 	snop  }
__scs_overlays_trampoline_lowered:
0x8: {  	[smem:$0x3FAD] =	sst s0  }
0x9: {  	[smem:$0x3FAE] =	sst s1  }
0xa: {  	[smem:$0x3FAF] =	sst s2  }
0xb: {  	[smem:$0x3FB0] =	sst s3  }
0xc: {  	[smem:$0x3FB1] =	sst s4  }
0xd: {  	[smem:$0x3FB2] =	sst s5  }
0xe: {  	[smem:$0x3FB3] =	sst s6  }
0xf: {  	[smem:$0x3FB4] =	sst s7  }
0x10: {  	[smem:$0x3FB5] =	sst s8  }
0x11: {  	[smem:$0x3FB6] =	sst s9;
	s0 =	simm.s32 @!p0 $0x0  }
0x12: {  	s1 =	sld [smem:$0x3F9C];
	s0 =	simm.s32 @p0 $0x1  }
0x13: {  	[smem:$0x3FB7] =	sst s0;
	s0 =	simm.s32 @!p1 $0x0  }
0x14: {  	s2 =	sld [smem:$0x3F9B];
	s0 =	simm.s32 @p1 $0x1  }
0x15: {  	[smem:$0x3FB8] =	sst s0;
	s0 =	simm.s32 @!p2 $0x0  }
0x16: {  	s3 =	sld [smem:$0x3FDB];
	s0 =	simm.s32 @p2 $0x1  }
0x17: {  	s4 =	simm.s32 $0x1BF5;
	[smem:$0x3FBA] =	sst s0  }
0x18: {  	s0 =	sld [smem:$0x3F9D];
	_ =	swait.ge [sflag:s4], $0x0  }
0x19: {  	s7 =	sld [smem:$0x3F9E]  }
0x1a: {  	s8 =	sadd.s32 $0xFFFFE003, lr  }
0x1b: {  	s9 =	sadd.s32 $0xFFFFFEF7, lr;
	s5 =	simm.s32 $0xFFFFFFFF;
	p2 =	slt.u32 s8, $0xFFFFF086  }
0x1c: {  	p1 =	slt.u32 s9, $0xF7A;
	s5 =	simm.s32 @!p2 $0x0  }
0x1d: {  	s5 =	simm.s32 @p1 $0x1;
	p0 =	seq.s32 s7, s2  }
0x1e: {  	s7 =	smul.u32 @!p0 $0xF7A, s2;
	p2 =	seq.s32 @!p0 s5, $0x0  }
0x1f: {  	s9 =	smul.u32 $0xF7A, s1;
	s8 =	simm.s32 @!p0 $0x1BF5;
	p2 =	por !p2, p0  }
0x20: {  	[sflag:s8] =	ssyncset.s32 @!p0 $0xFFFFF086;
	s6 =	sadd.s32 @!p0 s3, s7;
	s7 =	simm.s32 @!p0 $0x108  }
0x21: {  	s3 =	sadd.s32 s3, s9;
	s6 =	sadd.s32 @!p0 $0x88, s6;
	s7 =	simm.s32 @p2 $0x1082  }
0x22: {  	[simem:s7], [sflag:s8] =	dma.local @!p0 [hbm:s6], $0xF7A  }
0x23: {  	s9 =	sor.u32 $0xD0000000, s2;
	s6 =	simm.s32 $0x108;
	_ =	swait.ge @!p0 [sflag:s8], $0x0  }
0x24: {  	s3 =	sadd.s32 $0x88, s3;
	s6 =	simm.s32 @!p1 $0x1082;
	[sflag:s4] =	ssyncset.s32 $0xFFFFF086  }
0x25: {  	[simem:s6], [sflag:s4] =	dma.local [hbm:s3], $0xF7A  }
0x26: {  	[smem:$0x3F9E] =	sst s1;
	(tag) =	ssettag s2;
	_ =	strace s9  }
0x27: {  	s1 =	sld [smem:$0x3FAE]  }
0x28: {  	s2 =	sld [smem:$0x3FAF]  }
0x29: {  	s4 =	sld [smem:$0x3FB1]  }
0x2a: {  	p0 =	seq.s32 s5, $0x0;
	s5 =	sld [smem:$0x3FB2]  }
0x2b: {  	s6 =	sld [smem:$0x3FB3]  }
0x2c: {  	s7 =	sld [smem:$0x3FB4]  }
0x2d: {  	s3 =	simm.s32 $0x108;
	s8 =	sld [smem:$0x3FB5]  }
0x2e: {  	s3 =	simm.s32 @!p0 $0x1082;
	s9 =	sld [smem:$0x3FB6]  }
0x2f: {  	lr =	sadd.s32 s0, s3;
	s0 =	sld [smem:$0x3FAD]  }
0x30: {  	s3 =	sld [smem:$0x3FB0]  }
0x31: {  	[smem:$0x3FB9] =	sst s10  }
0x32: {  	s10 =	sld [smem:$0x3FB7];
	_ =	sdelay $0x3  }
0x33: {  	p0 =	seq.s32 s10, $0x1;
	s10 =	sld [smem:$0x3FB9];
	_ =	sdelay $0x3  }
0x34: {  	[smem:$0x3FB9] =	sst s10  }
0x35: {  	s10 =	sld [smem:$0x3FB8];
	_ =	sdelay $0x3  }
0x36: {  	p1 =	seq.s32 s10, $0x1;
	s10 =	sld [smem:$0x3FB9];
	_ =	sdelay $0x3  }
0x37: {  	[smem:$0x3FB9] =	sst s10  }
0x38: {  	s10 =	sld [smem:$0x3FBA]  }
0x39: {  	_ = 	snop;
	(pc) =	sbr.ind lr, $3  }
0x3a: {  	_ = 	snop  }
0x3b: {  	_ = 	snop  }
0x3c: {  	p2 =	seq.s32 s10, $0x1;
	s10 =	sld [smem:$0x3FB9]  }
0x3d: {  	_ =	shalt  }
0x3e: {  	_ =	shalt  }
0x3f: {  	_ =	shalt  }
0x40: {  	_ =	shalt  }
0x41: {  	_ =	shalt  }
0x42: {  	_ =	shalt  }
0x43: {  	_ =	shalt  }
0x44: {  	_ =	shalt  }
0x45: {  	_ =	shalt  }
0x46: {  	_ =	shalt  }
0x47: {  	_ =	shalt  }
0x48: {  	_ =	shalt  }
0x49: {  	_ =	shalt  }
0x4a: {  	_ =	shalt  }
0x4b: {  	_ =	shalt  }
0x4c: {  	_ =	shalt  }
0x4d: {  	_ =	shalt  }
0x4e: {  	_ =	shalt  }
0x4f: {  	_ =	shalt  }
0x50: {  	_ =	shalt  }
0x51: {  	_ =	shalt  }
0x52: {  	_ =	shalt  }
0x53: {  	_ =	shalt  }
0x54: {  	_ =	shalt  }
0x55: {  	_ =	shalt  }
0x56: {  	_ =	shalt  }
0x57: {  	_ =	shalt  }
0x58: {  	_ =	shalt  }
0x59: {  	_ =	shalt  }
0x5a: {  	_ =	shalt  }
0x5b: {  	_ =	shalt  }
0x5c: {  	_ =	shalt  }
0x5d: {  	_ =	shalt  }
0x5e: {  	_ =	shalt  }
0x5f: {  	_ =	shalt  }
0x60: {  	_ =	shalt  }
0x61: {  	_ =	shalt  }
0x62: {  	_ =	shalt  }
0x63: {  	_ =	shalt  }
0x64: {  	_ =	shalt  }
0x65: {  	_ =	shalt  }
0x66: {  	_ =	shalt  }
0x67: {  	_ =	shalt  }
0x68: {  	_ =	shalt  }
0x69: {  	_ =	shalt  }
0x6a: {  	_ =	shalt  }
0x6b: {  	_ =	shalt  }
0x6c: {  	_ =	shalt  }
0x6d: {  	_ =	shalt  }
0x6e: {  	_ =	shalt  }
0x6f: {  	_ =	shalt  }
0x70: {  	_ =	shalt  }
0x71: {  	_ =	shalt  }
0x72: {  	_ =	shalt  }
0x73: {  	_ =	shalt  }
0x74: {  	_ =	shalt  }
0x75: {  	_ =	shalt  }
0x76: {  	_ =	shalt  }
0x77: {  	_ =	shalt  }
0x78: {  	_ =	shalt  }
0x79: {  	_ =	shalt  }
0x7a: {  	_ =	shalt  }
0x7b: {  	_ =	shalt  }
0x7c: {  	_ =	shalt  }
0x7d: {  	_ =	shalt  }
0x7e: {  	_ =	shalt  }
0x7f: {  	_ =	shalt  }
0x80: {  	_ =	shalt  }
0x81: {  	_ =	shalt  }
0x82: {  	_ =	shalt  }
0x83: {  	_ =	shalt  }
0x84: {  	_ =	shalt  }
0x85: {  	_ =	shalt  }
0x86: {  	_ =	shalt  }
0x87: {  	_ =	shalt  }
.Lfunc_end0:
.L_simem_size_0:
called_computation_lowered:
.L_overlay_start_0:
0x88: {  	s2 =	sld [smem:$0x3FD9]  }
0x89: {  	s3 =	sld [smem:$0x3FFE];
	_ =	sdelay $0x1  }
0x8a: {  	s1 =	srdreg.scid  }
0x8b: {  	s0 =	sand.u32 $0x1, s1  }
0x8c: {  	s17 =	sshll.u32 s0, $0xA;
	s2 =	sadd.s32 s3, s2  }
0x8d: {  	s2 =	sadd.s32 s2, s17  }
0x8e: {  	[smem:$0x3FC5] =	sst s2  }
0x8f: {  	_ = 	snop  }
0x90: {  	s2 =	sld [smem:$0x3FC9]  }
0x91: {  	s18 =	sld [smem:$0x3FC8]  }
0x92: {  	s4 =	sld [smem:$0x3FD0];
	(tm) =	ssettm $0x1  }
0x93: {  	s5 =	sld [smem:$0x3FFB];
	_ =	sdelay $0x3  }
0x94: {  	_ =	strace s5  }
0x95: {  	s5 =	sld [smem:$0x3FFC];
	_ =	sdelay $0x3  }
0x96: {  	_ =	strace s5  }
0x97: {  	s5 =	sld [smem:$0x3FFD];
	_ =	sdelay $0x3  }
0x98: {  	_ =	strace s5  }
0x99: {  	_ =	strace $0x8FFFFFFF  }
0x9a: {  	s19 =	sld [smem:$0x3FDB];
	_ =	sdelay $0x1  }
0x9b: {  	s6 =	simm.s32 $_scs_section_size  }
0x9c: {  	s7 =	simm.s32 $_size__tile_overlayer_lowered;
	s8 =	simm.s32 $_tile_overlayer_lowered  }
0x9d: {  	s22 =	simm.s32 $0x1BFF;
	s21 =	sshll.u32 s8, $0x1;
	s5 =	sadd.s32 s6, s19  }
0x9e: {  	s9 =	simm.s32 $0x0;
	s20 =	sshll.u32 s7, $0x1;
	s7 =	sadd.s32 s21, s5  }
0x9f: {  	[timem:s9], [sflag:s22] =	dma.local [hbm:s7], s20  }
0xa0: {  	_ =	swait.ge [sflag:s22], s20  }
0xa1: {  	s6 =	ssub.s32 $0x0, s20;
	[sflag:s22] =	ssyncset.done $0x0  }
0xa2: {  	[sflag:s22] =	ssyncadd.s32 s6;
	_ =	sdelay $0x1  }
0xa3: {  	s23 =	simm.s32 $0x1B8B  }
0xa4: {  	_ =	swait.ge [sflag:s23], $0x1  }
0xa5: {  	[sflag:s23] =	ssyncset.done $0x0  }
0xa6: {  	s25 =	simm.s32 $0x1B8E;
	s24 =	sld [smem:$0x3FFE];
	[sflag:s23] =	ssyncadd.s32 $0xFFFFFFFF  }
0xa7: {  	s26 =	simm.s32 $execute0_lowered;
	[smem:$0x3FD2] =	sst s25  }
0xa8: {  	s7 =	sshll.u32 s26, $0x1;
	_ =	strace $0x80000046;
	[dreg:$0x1] =	wrdreg $0xFFFFFFFF  }
0xa9: {  	s28 =	simm.s32 $_size_execute0_lowered;
	s5 =	sadd.s32 s5, s7;
	[dreg:$0x0] =	wrdreg $0x0  }
0xaa: {  	s7 =	sshll.u32 s28, $0x1;
	[dreg:$0x2] =	wrdreg s5  }
0xab: {  	[dreg:$0x3] =	wrdreg s7  }
0xac: {  	[dreg:$0x4] =	wrdreg $0xC0  }
0xad: {  	_ =	task [dreg:s9], $0x5FFFF  }
0xae: {  	[dreg:$0x1] =	wrdreg $0xFFFFFFFF  }
0xaf: {  	[dreg:$0x0] =	wrdreg $0x60  }
0xb0: {  	[dreg:$0x2] =	wrdreg s2  }
0xb1: {  	[dreg:$0x3] =	wrdreg s18  }
0xb2: {  	[dreg:$0x4] =	wrdreg s24  }
0xb3: {  	[dreg:$0x5] =	wrdreg s4  }
0xb4: {  	[dreg:$0x6] =	wrdreg $0x9  }
0xb5: {  	_ =	task.clear_ibuf [dreg:s9], $0x7FFFF;
	_ =	strace $0x90000046  }
0xb6: {  	s29 =	simm.s32 $0x9;
	_ =	strace $0x80000048  }
0xb7: {  	_ =	swait.ge [sflag:s29], $0x1  }
0xb8: {  	[sflag:s29] =	ssyncadd.s32 $0xFFFFFFFF  }
0xb9: {  	_ =	strace $0x90000048  }
0xba: {  	_ =	sfence  }
0xbb: {  	s30 =	sld [smem:$0x0];
	_ =	sdelay $0x2  }
0xbc: {  	s31 =	sshll.u32 s1, $0xD;
	s1 =	sshrl.u32 s1, $0x2  }
0xbd: {  	s3 =	sand.u32 $0x4000, s31;
	s1 =	sadd.s32 s1, s30  }
0xbe: {  	s0 =	sor.u32 s3, s0;
	s1 =	sshll.u32 s1, $0x11  }
0xbf: {  	s0 =	sor.u32 s1, s0  }
0xc0: {  	s0 =	sadd.s32 $0x8F2B, s0  }
0xc1: {  	[sflag:s0] =	ssyncadd.remote.s32 $0x1  }
0xc2: {  	_ =	sfence.sel $0xFFFF  }
0xc3: {  	[dreg:$0x0] =	wrdreg $0xFFFFFFFF;
	(pc) =	sbr.abs _section_cstart, $3  }
0xc4: {  	[dreg:$0x1] =	wrdreg $0xFFFFFFFF  }
0xc5: {  	_ =	task.clear_ibuf [dreg:s9], $0x2FFFF;
	_ =	strace $0x9FFFFFFF  }
0xc6: {  	(tm) =	ssettm $0x7FFFFFFF  }
0xc7: {  	_ =	shalt  }
tec
execute0_lowered:
.L_overlay_start_1:
0x0: {  	(tag) =	ssettag $0x1  }
0x1: {  	vm12 =	vcmask $0x300  }
0x2: {  	v0 =	vimm.s32 $0x0;
	vm13 =	vcmask $0x704;
	vm11 =	vcmask $0xB08  }
0x3: {  	vm10 =	vcmask $0xF0C;
	vm9 =	vcmask $0x1310;
	vm8 =	vcmask $0x1714  }
0x4: {  	vm7 =	vcmask $0x1B18;
	vm6 =	vcmask $0x2320;
	vm5 =	vcmask $0x2724  }
0x5: {  	vm4 =	vcmask $0x2B28;
	vm3 =	vcmask $0x2F2C;
	vm2 =	vcmask $0x3330  }
0x6: {  	v5 =	vlaneseq.u32;
	vm1 =	vcmask $0x3734;
	vm0 =	vcmask $0x3B38  }
0x7: {  	v49 =	vimm.s32 $0x80;
	v50 =	vimm.s32 $0x100;
	v3 =	vimm.s32 $0x180  }
0x8: {  	v56 =	vimm.s32 $0x200;
	v57 =	vimm.s32 $0x280;
	v0 =	vsel vm12, $0x80, v0  }
0x9: {  	v2 =	vand.u32 $0x7, v5;
	v3 =	vsel vm12, $0x200, v3;
	v0 =	vsel vm13, $0x100, v0  }
0xa: {  	v47 =	vmul.u32 $0x80, v2;
	v2 =	vsel vm12, $0x180, v50;
	v0 =	vsel vm11, $0x180, v0  }
0xb: {  	v3 =	vsel vm13, $0x280, v3;
	v2 =	vsel vm13, $0x200, v2;
	v0 =	vsel vm10, $0x200, v0  }
0xc: {  	v3 =	vsel vm11, $0x300, v3;
	v2 =	vsel vm11, $0x280, v2;
	v0 =	vsel vm9, $0x280, v0  }
0xd: {  	v3 =	vsel vm10, $0x380, v3;
	v2 =	vsel vm10, $0x300, v2;
	v0 =	vsel vm8, $0x300, v0  }
0xe: {  	v3 =	vsel vm9, $0x0, v3;
	v2 =	vsel vm9, $0x380, v2;
	v0 =	vsel vm7, $0x380, v0  }
0xf: {  	v3 =	vsel vm8, $0x80, v3;
	v2 =	vsel vm8, $0x0, v2;
	v0 =	vsel vm6, $0x80, v0  }
0x10: {  	v3 =	vsel vm7, $0x100, v3;
	v2 =	vsel vm7, $0x80, v2;
	v0 =	vsel vm5, $0x100, v0  }
0x11: {  	v3 =	vsel vm6, $0x200, v3;
	v2 =	vsel vm6, $0x180, v2;
	v0 =	vsel vm4, $0x180, v0  }
0x12: {  	v3 =	vsel vm5, $0x280, v3;
	v2 =	vsel vm5, $0x200, v2;
	v1 =	vsel vm3, $0x200, v0  }
0x13: {  	v3 =	vsel vm4, $0x300, v3;
	v2 =	vsel vm4, $0x280, v2;
	v1 =	vsel vm2, $0x280, v1  }
0x14: {  	v3 =	vsel vm3, $0x380, v3;
	v2 =	vsel vm3, $0x300, v2;
	v1 =	vsel vm1, $0x300, v1  }
0x15: {  	v3 =	vsel vm2, $0x0, v3;
	v48 =	vsel vm0, $0x380, v1;
	v1 =	vsel vm12, $0x100, v49  }
0x16: {  	v2 =	vsel vm2, $0x380, v2;
	v53 =	vsel vm1, $0x80, v3;
	v1 =	vsel vm13, $0x180, v1  }
0x17: {  	v3 =	vimm.s32 $0x300;
	v52 =	vsel vm1, $0x0, v2;
	v1 =	vsel vm11, $0x200, v1  }
0x18: {  	v55 =	vsel vm0, $0x100, v53;
	v2 =	vsel vm12, $0x300, v57;
	v1 =	vsel vm10, $0x280, v1  }
0x19: {  	v3 =	vsel vm12, $0x380, v3;
	v54 =	vsel vm0, $0x80, v52;
	v1 =	vsel vm9, $0x300, v1  }
0x1a: {  	v2 =	vsel vm13, $0x380, v2;
	v3 =	vsel vm13, $0x0, v3;
	v1 =	vsel vm8, $0x380, v1  }
0x1b: {  	v2 =	vsel vm11, $0x0, v2;
	v3 =	vsel vm11, $0x80, v3;
	v1 =	vsel vm7, $0x0, v1  }
0x1c: {  	v2 =	vsel vm10, $0x80, v2;
	v3 =	vsel vm10, $0x100, v3;
	v1 =	vsel vm6, $0x100, v1  }
0x1d: {  	v2 =	vsel vm9, $0x100, v2;
	v3 =	vsel vm9, $0x180, v3;
	v1 =	vsel vm5, $0x180, v1  }
0x1e: {  	v2 =	vsel vm8, $0x180, v2;
	v3 =	vsel vm8, $0x200, v3;
	v1 =	vsel vm4, $0x200, v1  }
0x1f: {  	v2 =	vsel vm7, $0x200, v2;
	v3 =	vsel vm7, $0x280, v3;
	v1 =	vsel vm3, $0x280, v1  }
0x20: {  	v2 =	vsel vm6, $0x300, v2;
	v3 =	vsel vm6, $0x380, v3;
	v1 =	vsel vm2, $0x300, v1  }
0x21: {  	s4 =	rddreg [dreg:$0x0];
	v2 =	vsel vm5, $0x380, v2;
	v3 =	vsel vm5, $0x0, v3;
	v1 =	vsel vm1, $0x380, v1  }
0x22: {  	s6 =	rddreg [dreg:$0x1];
	[tilespmem:$0x1FF10] =	vst v47;
	v2 =	vsel vm4, $0x0, v2;
	v51 =	vsel vm0, $0x0, v1;
	v1 =	vsel vm12, $0x280, v56  }
0x23: {  	s3 =	rddreg [dreg:$0x2];
	[tilespmem:$0x1FF20] =	vst v48;
	v3 =	vsel vm4, $0x80, v3;
	v2 =	vsel vm3, $0x80, v2;
	v1 =	vsel vm13, $0x300, v1  }
0x24: {  	s7 =	rddreg [dreg:$0x3];
	[tilespmem:$0x1FF50] =	vst v55;
	v3 =	vsel vm3, $0x100, v3;
	v2 =	vsel vm2, $0x100, v2;
	v1 =	vsel vm11, $0x380, v1  }
0x25: {  	s0 =	rddreg [dreg:$0x4];
	s1 =	simm.s32 $0x0;
	s5 =	srdreg.scid;
	[tilespmem:$0x1FF40] =	vst v54;
	v3 =	vsel vm2, $0x180, v3;
	v59 =	vsel vm1, $0x180, v2;
	v1 =	vsel vm10, $0x0, v1  }
0x26: {  	s10 =	simm.s32 $0x20000;
	s11 =	simm.s32 $0x10600;
	[smem:$0x7FF] =	sst s1;
	v60 =	vsel vm1, $0x200, v3;
	v61 =	vsel vm0, $0x200, v59;
	[tilespmem:$0x1FF30] =	vst v51;
	v1 =	vsel vm9, $0x80, v1  }
0x27: {  	s2 =	stileid.u32;
	s12 =	simm.s32 $0x14600;
	v63 =	vmul.u32 $0x100, v5;
	v62 =	vsel vm0, $0x280, v60;
	_ =	strace $0x80000047;
	[tilespmem:$0x1FF70] =	vst v61;
	v1 =	vsel vm8, $0x100, v1  }
0x28: {  	s13 =	simm.s32 $0x5;
	s14 =	simm.s32 $0x100;
	s15 =	simm.s32 $0x200;
	[tilespmem:$0x1FF80] =	vst v62;
	v1 =	vsel vm7, $0x180, v1  }
0x29: {  	s16 =	simm.s32 $0x600;
	s17 =	simm.s32 $0x300;
	s18 =	simm.s32 $0x8600;
	v7 =	vadd.s32 $0xB, v5;
	[tilespmem:$0x1FF90] =	vst v63;
	v1 =	vsel vm6, $0x280, v1  }
0x2a: {  	s19 =	simm.s32 $0x1;
	s20 =	simm.s32 $0x3;
	s21 =	simm.s32 $0x400;
	v11 =	vadd.s32 $0xC, v5;
	[tilespmem:$0x1FFA0] =	vst v7;
	v1 =	vsel vm5, $0x300, v1  }
0x2b: {  	s22 =	simm.s32 $0x2;
	s23 =	simm.s32 $0x4;
	s5 =	sand.u32 $0x1, s5;
	v25 =	vadd.s32 $0x1, v5;
	v8 =	vadd.s32 $0xD, v5;
	[tilespmem:$0x1FFB0] =	vst v11;
	v1 =	vsel vm4, $0x380, v1  }
0x2c: {  	s24 =	simm.s32 $0x0;
	s8 =	sshll.u32 s2, $0xA;
	v12 =	vadd.s32 $0x2, v5;
	v6 =	vadd.s32 $0xE, v5;
	s9 =	sshll.u32 s5, $0x9;
	[tilespmem:$0x1FFC0] =	vst v8;
	v1 =	vsel vm3, $0x0, v1  }
0x2d: {  	s3 =	sadd.s32 $0x400, s3;
	v13 =	vadd.s32 $0x3, v5;
	v10 =	vadd.s32 $0xF, v5;
	s5 =	ssub.s32 $0x2, s5;
	s8 =	sor.u32 s9, s8;
	[tilespmem:$0x1FFD0] =	vst v6;
	v1 =	vsel vm2, $0x80, v1  }
0x2e: {  	v9 =	vadd.s32 $0x4, v5;
	v19 =	vadd.s32 $0xA, v5;
	s31 =	sshrl.u32 s5, $0x1;
	s4 =	sadd.s32 s4, s8;
	s8 =	sshrl.u32 s8, $0x3;
	[tilespmem:$0x1FFE0] =	vst v10;
	v1 =	vsel vm1, $0x100, v1  }
0x2f: {  	v16 =	vadd.s32 $0x5, v5;
	v21 =	vadd.s32 $0x6, v5;
	s9 =	ssub.s32 s5, s31;
	s5 =	sadd.s32 $0x100, s4;
	s6 =	sadd.s32 s6, s8;
	[tilespmem:$0x1FFF0] =	vst v19;
	v58 =	vsel vm0, $0x180, v1  }
0x30: {  	v22 =	vadd.s32 $0x7, v5;
	v23 =	vadd.s32 $0x8, v5;
	v24 =	vadd.s32 $0x9, v5;
	s7 =	sadd.s32 s7, s8;
	s8 =	smax.u32 s9, $0x1;
	s9 =	simm.s32 $0x800;
	[tilespmem:$0x1FF60] =	vst v58  }
.LBB2_1:
0x31: {  	[tilespmem:s11], [sflag:$0x3] =	stream.strided.gather [hbm4b:s4+s9], $0x4000, s10, s9, $0x38;
	[tilespmem:$0x18600] =	vst v63  }
0x32: {  	_ = 	snop  }
0x33: {  	[tilespmem:s12], [sflag:$0x4] =	stream.strided.gather [hbm4b:s5+s9], $0x4000, s10, s9, $0x38;
	[tilespmem:$0x18600] =	vst v63  }
0x34: {  	_ = 	snop  }
0x35: {  	[tilespmem:s1], [sflag:$0x5] =	stream.linear.gather [hbm4b:s6+s1], $0x200, $0x38;
	[tilespmem:$0x18600] =	vst v63  }
0x36: {  	_ =	swait.ge [sflag:s13], $0x200  }
0x37: {  	[sflag:s13] =	ssyncset.done $0x0  }
0x38: {  	s25 =	simm.s32 $0x0;
	[sflag:s13] =	ssyncadd.s32 $0xFFFFFE00  }
0x39: {  	s26 =	simm.s32 $0x40;
	v1 =	vld [tilespmem:s25+$0x0]  }
.LBB2_2:
0x3a: {  	p0 =	sne.s32 s26, $0x7C0  }
.Ltmp0:
0x3b: {  	_ = 	snop;
	(pc) =	sbr.rel @p0 .LBB2_2-.Ltmp0, $3  }
0x3c: {  	_ =	sdelay $0x1  }
0x3d: {  	s28 =	sshra.s32 s26, $0x2;
	s26 =	sadd.s32 $0x40, s26;
	v2 =	vshra.s32 v1, $0x1  }
0x3e: {  	v1 =	vld [tilespmem:s28+$0x0];
	[tilespmem:s25+$0x200] =	vst v2;
	s25 =	smov.u32 s28  }
0x3f: {  	_ =	sdelay $0x3  }
0x40: {  	v1 =	vshra.s32 v1, $0x1  }
0x41: {  	[tilespmem:s25+$0x200] =	vst v1  }
0x42: {  	[tilespmem:s16], [sflag:$0x1] =	stream.indirect.gather [hbm4b:s3+s14], $0x80, s15, s14, $0xb8;
	[tilespmem:$0x18600] =	vst v63  }
0x43: {  	_ = 	snop  }
0x44: {  	[tilespmem:s18], [sflag:$0x2] =	stream.indirect.gather [hbm4b:s3+s14], $0x80, s17, s14, $0xb8;
	[tilespmem:$0x18600] =	vst v63  }
0x45: {  	_ =	swait.ge [sflag:s19], $0x8000  }
0x46: {  	[sflag:s19] =	ssyncset.done $0x0  }
0x47: {  	[sflag:s19] =	ssyncadd.s32 $0xFFFF8000  }
0x48: {  	_ =	swait.ge [sflag:s20], $0x4000  }
0x49: {  	[sflag:s20] =	ssyncset.done $0x0  }
0x4a: {  	s26 =	simm.s32 $0x0;
	s25 =	simm.s32 $0x0;
	[sflag:s20] =	ssyncadd.s32 $0xFFFFC000  }
.LBB2_4:
0x4b: {  	s28 =	sshll.u32 s26, $0x4  }
0x4c: {  	v1 =	vld [tilespmem:s28+$0x0];
	_ =	sdelay $0x1  }
0x4d: {  	v0 =	vor.u32 s28, v5  }
0x4e: {  	v3 =	vshll.u32 v0, $0x7;
	[tilespmem:$0x1FF00] =	vst v0;
	v4 =	vand.u32 $0x7F, v0;
	v0 =	vld [tilespmem:$0x1FF10]  }
0x4f: {  	v2 =	vmov s28  }
0x50: {  	v2 =	vshll.u32 v2, $0x3;
	v1 =	vshll.u32 v1, $0x6  }
0x51: {  	v2 =	vand.u32 $0x400, v2;
	v1 =	vand.u32 $0x40, v1  }
0x52: {  	v34 =	vor.u32 v3, v1;
	v1 =	vor.u32 v2, v4  }
0x53: {  	v33 =	vor.u32 v0, v1;
	v0 =	vld [tilespmem:$0x1FF20];
	_ =	sdelay $0x4  }
0x54: {  	v31 =	vor.u32 v0, v1;
	v0 =	vld [tilespmem:$0x1FF30];
	_ =	sdelay $0x4  }
0x55: {  	v30 =	vor.u32 v0, v1;
	v0 =	vld [tilespmem:$0x1FF40];
	_ =	sdelay $0x4  }
0x56: {  	v29 =	vor.u32 v0, v1;
	v0 =	vld [tilespmem:$0x1FF50];
	_ =	sdelay $0x4  }
0x57: {  	v38 =	vimm.f32 $0.0e+00;
	v28 =	vor.u32 v0, v1;
	v0 =	vld [tilespmem:$0x1FF60]  }
0x58: {  	v36 =	vadd.s32 s25, v23;
	v37 =	vadd.s32 s25, v24;
	v39 =	vadd.s32 s25, v9  }
0x59: {  	v40 =	vadd.s32 s25, v16;
	v41 =	vadd.s32 s25, v21;
	v42 =	vadd.s32 s25, v12  }
0x5a: {  	v43 =	vadd.s32 s25, v13;
	v50 =	vmov s25;
	v60 =	vand.u32 $0x3F, v37  }
0x5b: {  	v61 =	vand.u32 $0x3F, v36;
	v57 =	vshll.u32 v36, $0x8;
	v46 =	vshll.u32 v37, $0x8  }
0x5c: {  	v54 =	vand.u32 $0x3F, v41;
	v55 =	vand.u32 $0x3F, v40;
	v27 =	vor.u32 v0, v1;
	v0 =	vld [tilespmem:$0x1FF70]  }
0x5d: {  	v53 =	vshll.u32 v40, $0x8;
	v52 =	vshll.u32 v41, $0x8;
	v63 =	vand.u32 $0x3F, v43  }
0x5e: {  	v58 =	vand.u32 $0x3F, v39;
	v59 =	vshll.u32 v39, $0x8;
	v41 =	vimm.f32 $0.0e+00  }
0x5f: {  	v40 =	vimm.f32 $0.0e+00;
	v2 =	vadd.s32 s25, v10;
	v3 =	vadd.s32 s25, v8  }
0x60: {  	v4 =	vadd.s32 s25, v19;
	v8 =	vadd.s32 s25, v25;
	v35 =	vor.u32 v5, v34  }
0x61: {  	v5 =	vadd.s32 s25, v7;
	v7 =	vadd.s32 s25, v22;
	v32 =	vor.u32 v0, v1;
	v0 =	vld [tilespmem:$0x1FF80]  }
0x62: {  	v20 =	vmovc v25;
	v15 =	vshll.u32 v2, $0x8;
	v25 =	vshll.u32 v3, $0x8;
	v62 =	vand.u32 $0x3F, v4  }
0x63: {  	v48 =	vshll.u32 v4, $0x8;
	v4 =	vshll.u32 v42, $0x8;
	v45 =	vor.u32 s25, v35  }
0x64: {  	v49 =	vand.u32 $0x3F, v5;
	v47 =	vshll.u32 v5, $0x8;
	v56 =	vand.u32 $0x3F, v7  }
0x65: {  	v51 =	vshll.u32 v7, $0x8;
	v7 =	vshll.u32 v50, $0x8;
	v5 =	vand.u32 $0x3F, v8  }
0x66: {  	v26 =	vor.u32 v0, v1;
	v1 =	vadd.s32 s25, v6;
	v6 =	vadd.s32 s25, v11  }
0x67: {  	v11 =	vand.u32 $0x3F, v2;
	v0 =	vand.u32 $0x3F, v3;
	v3 =	vand.u32 $0x3F, v42  }
0x68: {  	v17 =	vmovc v24;
	v2 =	vshll.u32 v43, $0x8;
	v42 =	vand.u32 $0x3800, v15;
	v43 =	vand.u32 $0x3800, v25  }
0x69: {  	v24 =	vmovc v21;
	v21 =	vmovc v12;
	v14 =	vand.u32 $0x3F, v1;
	v10 =	vshll.u32 v1, $0x8;
	v44 =	vand.u32 $0x3F, v6  }
0x6a: {  	v18 =	vmovc v22;
	v22 =	vmovc v13;
	v1 =	vshll.u32 v6, $0x8;
	v6 =	vshll.u32 v8, $0x8;
	v36 =	vor.u32 v11, v34  }
0x6b: {  	s28 =	simm.s32 $0x10;
	v15 =	vmovc v23;
	v23 =	vmovc v9;
	v39 =	vor.u32 v0, v34;
	v0 =	vld [tilespmem:$0x1FF90];
	v37 =	vor.u32 v14, v34;
	v50 =	vand.u32 $0x3800, v10  }
.LBB2_5:
0x6c: {  	v5 =	vor.u32 v5, v34  }
0x6d: {  	v44 =	vor.u32 v44, v34;
	v3 =	vor.u32 v3, v34  }
0x6e: {  	v1 =	vand.u32 $0x3800, v1;
	v6 =	vand.u32 $0x3800, v6;
	v9 =	vor.u32 v63, v34  }
0x6f: {  	v49 =	vor.u32 v49, v34;
	v8 =	vor.u32 v62, v34;
	v6 =	vor.u32 v6, v31  }
0x70: {  	v4 =	vand.u32 $0x3800, v4;
	v45 =	vld.idx.msk [tilespmem:v45+s16+$0x0], $0xffff;
	v58 =	vor.u32 v58, v34;
	v0 =	vor.u32 v0, v7  }
0x71: {  	v25 =	vand.u32 $0x3800, v48;
	v4 =	vor.u32 v4, v30;
	v0 =	vand.u32 $0x3800, v0;
	v5 =	vld.idx.msk [tilespmem:v5+s16+$0x0], $0xffff  }
0x72: {  	v48 =	vor.u32 v61, v34;
	v55 =	vor.u32 v55, v34;
	v3 =	vld.idx.msk [tilespmem:v3+s16+$0x0], $0xffff;
	v0 =	vor.u32 v0, v33  }
0x73: {  	v53 =	vand.u32 $0x3800, v53;
	v7 =	vand.u32 $0x3800, v47;
	v47 =	vor.u32 v60, v34;
	v60 =	vld.idx.msk [tilespmem:v9+s16+$0x0], $0xffff  }
0x74: {  	v46 =	vand.u32 $0x3800, v46;
	v2 =	vand.u32 $0x3800, v2;
	v53 =	vor.u32 v53, v27;
	v6 =	vld.idx.msk [tilespmem:v6+s11+$0x0], $0xffff  }
0x75: {  	v57 =	vand.u32 $0x3800, v57;
	v56 =	vor.u32 v56, v34;
	v2 =	vor.u32 v2, v29;
	v58 =	vld.idx.msk [tilespmem:v58+s16+$0x0], $0xffff  }
0x76: {  	v51 =	vand.u32 $0x3800, v51;
	v54 =	vor.u32 v54, v34;
	v52 =	vand.u32 $0x3800, v52;
	v4 =	vld.idx.msk [tilespmem:v4+s11+$0x0], $0xffff  }
0x77: {  	v59 =	vand.u32 $0x3800, v59;
	v50 =	vor.u32 v50, v32;
	v42 =	vor.u32 v42, v26;
	v0 =	vld.idx.msk [tilespmem:v0+s11+$0x0], $0xffff  }
0x78: {  	v43 =	vor.u32 v43, v27;
	v59 =	vor.u32 v59, v28;
	v1 =	vor.u32 v1, v28;
	v63 =	vld.idx.msk [tilespmem:v55+s16+$0x0], $0xffff  }
0x79: {  	v46 =	vor.u32 v46, v31;
	v52 =	vor.u32 v52, v32;
	v53 =	vld.idx.msk [tilespmem:v53+s11+$0x0], $0xffff;
	v11 =	vmul.f32 v6, v5  }
0x7a: {  	v25 =	vor.u32 v25, v30;
	v2 =	vld.idx.msk [tilespmem:v2+s11+$0x0], $0xffff;
	v5 =	vmul.f32 v5, v5;
	v6 =	vmul.f32 v6, v6  }
0x7b: {  	v57 =	vor.u32 v57, v33;
	v61 =	vld.idx.msk [tilespmem:v48+s16+$0x0], $0xffff;
	v9 =	vmul.f32 v4, v3;
	v3 =	vmul.f32 v3, v3  }
0x7c: {  	v51 =	vor.u32 v51, v26;
	v8 =	vld.idx.msk [tilespmem:v8+s16+$0x0], $0xffff;
	v10 =	vmul.f32 v0, v45;
	v0 =	vmul.f32 v0, v0  }
0x7d: {  	v7 =	vor.u32 v7, v29;
	v59 =	vld.idx.msk [tilespmem:v59+s11+$0x0], $0xffff;
	v4 =	vmul.f32 v4, v4;
	v45 =	vmul.f32 v45, v45  }
0x7e: {  	v52 =	vld.idx.msk [tilespmem:v52+s11+$0x0], $0xffff;
	v62 =	vmul.f32 v53, v63;
	v38 =	vadd.f32 v10, v38;
	v0 =	vadd.f32 v0, v40  }
0x7f: {  	v25 =	vld.idx.msk [tilespmem:v25+s11+$0x0], $0xffff;
	v41 =	vadd.f32 v45, v41;
	v10 =	vmul.f32 v2, v60;
	v2 =	vmul.f32 v2, v2  }
0x80: {  	v40 =	vmul.f32 v63, v63;
	v63 =	vld.idx.msk [tilespmem:v57+s11+$0x0], $0xffff;
	v38 =	vadd.f32 v11, v38;
	v0 =	vadd.f32 v6, v0  }
0x81: {  	v57 =	vmul.f32 v61, v61;
	v45 =	vor.u32 s28, v35;
	v5 =	vadd.f32 v5, v41;
	v6 =	vld.idx.msk [tilespmem:v54+s16+$0x0], $0xffff  }
0x82: {  	v11 =	vmul.f32 v60, v60;
	v38 =	vadd.f32 v9, v38;
	v0 =	vadd.f32 v4, v0  }
0x83: {  	v60 =	vmul.f32 v58, v58;
	v3 =	vadd.f32 v3, v5;
	v4 =	vld.idx.msk [tilespmem:v56+s16+$0x0], $0xffff;
	v56 =	vmul.f32 v59, v58  }
0x84: {  	v5 =	vadd.f32 v10, v38;
	v0 =	vadd.f32 v2, v0;
	v2 =	vmul.f32 v59, v59  }
0x85: {  	v51 =	vld.idx.msk [tilespmem:v51+s11+$0x0], $0xffff;
	v3 =	vadd.f32 v11, v3;
	v59 =	vmul.f32 v25, v8;
	v8 =	vmul.f32 v8, v8  }
0x86: {  	v46 =	vld.idx.msk [tilespmem:v46+s11+$0x0], $0xffff;
	v54 =	vmul.f32 v52, v6;
	v6 =	vmul.f32 v6, v6;
	v5 =	vadd.f32 v56, v5  }
0x87: {  	v3 =	vadd.f32 v60, v3;
	v0 =	vadd.f32 v2, v0;
	v2 =	vmul.f32 v53, v53;
	v53 =	vld.idx.msk [tilespmem:v47+s16+$0x0], $0xffff  }
0x88: {  	v56 =	vmul.f32 v63, v61;
	v60 =	vld.idx.msk [tilespmem:v43+s11+$0x0], $0xffff;
	v43 =	vmov s28;
	v5 =	vadd.f32 v62, v5  }
0x89: {  	v3 =	vadd.f32 v40, v3;
	v0 =	vadd.f32 v2, v0;
	v2 =	vmul.f32 v52, v52  }
0x8a: {  	v7 =	vld.idx.msk [tilespmem:v7+s11+$0x0], $0xffff;
	v55 =	vmul.f32 v51, v4;
	v4 =	vmul.f32 v4, v4;
	v5 =	vadd.f32 v54, v5  }
0x8b: {  	v3 =	vadd.f32 v6, v3;
	v0 =	vadd.f32 v2, v0;
	v2 =	vmul.f32 v51, v51;
	v6 =	vld.idx.msk [tilespmem:v49+s16+$0x0], $0xffff  }
0x8c: {  	v62 =	vld.idx.msk [tilespmem:v50+s11+$0x0], $0xffff;
	v50 =	vadd.s32 s28, v20;
	v58 =	vmul.f32 v46, v53;
	v5 =	vadd.f32 v55, v5  }
0x8d: {  	v1 =	vld.idx.msk [tilespmem:v1+s11+$0x0], $0xffff;
	v3 =	vadd.f32 v4, v3;
	v0 =	vadd.f32 v2, v0;
	v2 =	vmul.f32 v63, v63  }
0x8e: {  	v41 =	vmul.f32 v53, v53;
	v63 =	vld.idx.msk [tilespmem:v42+s11+$0x0], $0xffff;
	v42 =	vadd.s32 s28, v22;
	v5 =	vadd.f32 v56, v5  }
0x8f: {  	v4 =	vld.idx.msk [tilespmem:v44+s16+$0x0], $0xffff;
	v3 =	vadd.f32 v57, v3;
	v0 =	vadd.f32 v2, v0;
	v2 =	vmul.f32 v46, v46  }
0x90: {  	v61 =	vmul.f32 v7, v6;
	v6 =	vmul.f32 v6, v6;
	v5 =	vadd.f32 v58, v5  }
0x91: {  	v0 =	vadd.f32 v2, v0;
	v2 =	vmul.f32 v25, v25;
	v25 =	vld.idx.msk [tilespmem:v37+s16+$0x0], $0xffff;
	v37 =	vadd.s32 s28, v24  }
0x92: {  	v39 =	vld.idx.msk [tilespmem:v39+s16+$0x0], $0xffff;
	v3 =	vadd.f32 v41, v3;
	v54 =	vand.u32 $0x3F, v37;
	v52 =	vshll.u32 v37, $0x8  }
0x93: {  	v5 =	vadd.f32 v59, v5;
	v0 =	vadd.f32 v2, v0;
	v2 =	vmul.f32 v7, v7  }
0x94: {  	v3 =	vadd.f32 v8, v3;
	v8 =	vmul.f32 v1, v4;
	v4 =	vmul.f32 v4, v4  }
0x95: {  	v7 =	vld.idx.msk [tilespmem:v36+s16+$0x0], $0xffff;
	v1 =	vmul.f32 v1, v1;
	v36 =	vadd.s32 s28, v16;
	v5 =	vadd.f32 v61, v5  }
0x96: {  	v55 =	vand.u32 $0x3F, v36;
	v3 =	vadd.f32 v6, v3;
	v0 =	vadd.f32 v2, v0  }
0x97: {  	v53 =	vshll.u32 v36, $0x8;
	v6 =	vmul.f32 v39, v39;
	v2 =	vadd.f32 v8, v5  }
0x98: {  	v5 =	vmul.f32 v60, v39;
	v3 =	vadd.f32 v4, v3;
	v0 =	vadd.f32 v1, v0  }
0x99: {  	v1 =	vmul.f32 v60, v60;
	v4 =	vmul.f32 v62, v25;
	v8 =	vadd.s32 s28, v17  }
0x9a: {  	v39 =	vadd.s32 s28, v21;
	v60 =	vand.u32 $0x3F, v8;
	v46 =	vshll.u32 v8, $0x8  }
0x9b: {  	v2 =	vadd.f32 v5, v2;
	v5 =	vmul.f32 v25, v25;
	v3 =	vadd.f32 v6, v3  }
0x9c: {  	v0 =	vadd.f32 v1, v0;
	v1 =	vmul.f32 v62, v62;
	v6 =	vmul.f32 v7, v7  }
0x9d: {  	v25 =	vadd.s32 s28, v23;
	v2 =	vadd.f32 v4, v2;
	v4 =	vmul.f32 v63, v7  }
0x9e: {  	v3 =	vadd.f32 v5, v3;
	v0 =	vadd.f32 v1, v0;
	v1 =	vmul.f32 v63, v63;
	v5 =	vld [tilespmem:$0x1FFD0]  }
0x9f: {  	v58 =	vand.u32 $0x3F, v25;
	v59 =	vshll.u32 v25, $0x8;
	v7 =	vld [tilespmem:$0x1FFE0];
	v38 =	vadd.f32 v4, v2  }
0xa0: {  	v63 =	vand.u32 $0x3F, v42;
	v41 =	vadd.f32 v6, v3;
	v40 =	vadd.f32 v1, v0  }
0xa1: {  	v2 =	vld [tilespmem:$0x1FFC0];
	v0 =	vadd.s32 s28, v19;
	v4 =	vadd.s32 s28, v18;
	v6 =	vadd.s32 s28, v15  }
0xa2: {  	v1 =	vld [tilespmem:$0x1FFA0];
	v62 =	vand.u32 $0x3F, v0;
	v48 =	vshll.u32 v0, $0x8;
	v61 =	vand.u32 $0x3F, v6  }
0xa3: {  	v3 =	vld [tilespmem:$0x1FFB0];
	v57 =	vshll.u32 v6, $0x8;
	v56 =	vand.u32 $0x3F, v4;
	v51 =	vshll.u32 v4, $0x8  }
0xa4: {  	v4 =	vshll.u32 v39, $0x8;
	v5 =	vadd.s32 s28, v5;
	v7 =	vadd.s32 s28, v7  }
0xa5: {  	v6 =	vshll.u32 v50, $0x8;
	v9 =	vand.u32 $0x3F, v7;
	v10 =	vand.u32 $0x3F, v5  }
0xa6: {  	v11 =	vshll.u32 v5, $0x8;
	v12 =	vshll.u32 v7, $0x8;
	v7 =	vshll.u32 v43, $0x8  }
0xa7: {  	p0 =	sne.s32 s28, $0x30;
	v5 =	vand.u32 $0x3F, v50;
	v2 =	vadd.s32 s28, v2;
	v1 =	vadd.s32 s28, v1  }
.Ltmp1:
0xa8: {  	v3 =	vadd.s32 s28, v3;
	v37 =	vor.u32 v10, v34;
	v36 =	vor.u32 v9, v34;
	(pc) =	sbr.rel @p0 .LBB2_5-.Ltmp1, $4  }
0xa9: {  	v50 =	vand.u32 $0x3800, v11;
	v44 =	vand.u32 $0x3F, v3;
	v13 =	vand.u32 $0x3F, v2  }
0xaa: {  	v14 =	vshll.u32 v2, $0x8;
	v49 =	vand.u32 $0x3F, v1;
	v47 =	vshll.u32 v1, $0x8  }
0xab: {  	v1 =	vshll.u32 v3, $0x8;
	v3 =	vand.u32 $0x3F, v39;
	v2 =	vshll.u32 v42, $0x8  }
0xac: {  	v0 =	vld [tilespmem:$0x1FF90];
	s28 =	sadd.s32 $0x10, s28;
	v42 =	vand.u32 $0x3800, v12;
	v39 =	vor.u32 v13, v34;
	v43 =	vand.u32 $0x3800, v14  }
0xad: {  	_ =	sdelay $0x3  }
0xae: {  	v0 =	vor.u32 v0, v7  }
0xaf: {  	v0 =	vand.u32 $0x3800, v0  }
0xb0: {  	v0 =	vor.u32 v0, v33  }
0xb1: {  	v5 =	vor.u32 v5, v34;
	v6 =	vand.u32 $0x3800, v6  }
0xb2: {  	v3 =	vor.u32 v3, v34;
	v6 =	vor.u32 v6, v31  }
0xb3: {  	v4 =	vand.u32 $0x3800, v4;
	v9 =	vld.idx.msk [tilespmem:v45+s16+$0x0], $0xffff;
	v35 =	vand.u32 $0x3800, v59;
	v48 =	vand.u32 $0x3800, v48  }
0xb4: {  	v59 =	vor.u32 v55, v34;
	v4 =	vor.u32 v4, v30;
	v55 =	vor.u32 v48, v30;
	v48 =	vld.idx.msk [tilespmem:v37+s16+$0x0], $0xffff  }
0xb5: {  	v8 =	vor.u32 v49, v34;
	v11 =	vor.u32 v63, v34;
	v2 =	vand.u32 $0x3800, v2;
	v0 =	vld.idx.msk [tilespmem:v0+s11+$0x0], $0xffff  }
0xb6: {  	v10 =	vor.u32 v62, v34;
	v12 =	vor.u32 v60, v34;
	v2 =	vor.u32 v2, v29;
	v5 =	vld.idx.msk [tilespmem:v5+s16+$0x0], $0xffff  }
0xb7: {  	v13 =	vor.u32 v61, v34;
	v14 =	vand.u32 $0x3800, v57;
	v25 =	vor.u32 v58, v34;
	v6 =	vld.idx.msk [tilespmem:v6+s11+$0x0], $0xffff  }
0xb8: {  	v45 =	vor.u32 v54, v34;
	v60 =	vand.u32 $0x3800, v53;
	v35 =	vor.u32 v35, v28;
	v3 =	vld.idx.msk [tilespmem:v3+s16+$0x0], $0xffff  }
0xb9: {  	v52 =	vand.u32 $0x3800, v52;
	v49 =	vor.u32 v60, v27;
	v61 =	vmul.f32 v9, v9;
	v4 =	vld.idx.msk [tilespmem:v4+s11+$0x0], $0xffff  }
0xba: {  	v14 =	vor.u32 v14, v33;
	v52 =	vor.u32 v52, v32;
	v11 =	vld.idx.msk [tilespmem:v11+s16+$0x0], $0xffff;
	v62 =	vmul.f32 v0, v0  }
0xbb: {  	v7 =	vor.u32 v44, v34;
	v2 =	vld.idx.msk [tilespmem:v2+s11+$0x0], $0xffff;
	v41 =	vadd.f32 v61, v41;
	v63 =	vmul.f32 v5, v5  }
0xbc: {  	v44 =	vor.u32 v56, v34;
	v25 =	vld.idx.msk [tilespmem:v25+s16+$0x0], $0xffff;
	v56 =	vmul.f32 v6, v6;
	v33 =	vadd.f32 v62, v40  }
0xbd: {  	v51 =	vand.u32 $0x3800, v51;
	v35 =	vld.idx.msk [tilespmem:v35+s11+$0x0], $0xffff;
	v57 =	vmul.f32 v3, v3;
	v41 =	vadd.f32 v63, v41  }
0xbe: {  	v51 =	vor.u32 v51, v26;
	v34 =	vld.idx.msk [tilespmem:v59+s16+$0x0], $0xffff;
	v58 =	vmul.f32 v4, v4;
	v33 =	vadd.f32 v56, v33  }
0xbf: {  	v49 =	vld.idx.msk [tilespmem:v49+s11+$0x0], $0xffff;
	v59 =	vmul.f32 v11, v11;
	v41 =	vadd.f32 v57, v41  }
0xc0: {  	v1 =	vand.u32 $0x3800, v1;
	v45 =	vld.idx.msk [tilespmem:v45+s16+$0x0], $0xffff;
	v60 =	vmul.f32 v2, v2;
	v33 =	vadd.f32 v58, v33  }
0xc1: {  	v46 =	vand.u32 $0x3800, v46;
	v52 =	vld.idx.msk [tilespmem:v52+s11+$0x0], $0xffff;
	v61 =	vmul.f32 v25, v25;
	v41 =	vadd.f32 v59, v41  }
0xc2: {  	v44 =	vld.idx.msk [tilespmem:v44+s16+$0x0], $0xffff;
	v63 =	vmul.f32 v35, v35;
	v62 =	vor.u32 v46, v31;
	v33 =	vadd.f32 v60, v33  }
0xc3: {  	v47 =	vand.u32 $0x3800, v47;
	v54 =	vmul.f32 v34, v34;
	v46 =	vld.idx.msk [tilespmem:v51+s11+$0x0], $0xffff;
	v41 =	vadd.f32 v61, v41  }
0xc4: {  	v32 =	vor.u32 v50, v32;
	v13 =	vld.idx.msk [tilespmem:v13+s16+$0x0], $0xffff;
	v56 =	vmul.f32 v49, v49;
	v33 =	vadd.f32 v63, v33  }
0xc5: {  	v14 =	vld.idx.msk [tilespmem:v14+s11+$0x0], $0xffff;
	v57 =	vor.u32 v47, v29;
	v41 =	vadd.f32 v54, v41;
	v58 =	vmul.f32 v45, v45  }
0xc6: {  	v0 =	vmul.f32 v0, v9;
	v9 =	vld.idx.msk [tilespmem:v12+s16+$0x0], $0xffff;
	v59 =	vmul.f32 v52, v52;
	v12 =	vadd.f32 v56, v33  }
0xc7: {  	v1 =	vor.u32 v1, v28;
	v61 =	vmul.f32 v44, v44;
	v60 =	vld.idx.msk [tilespmem:v62+s11+$0x0], $0xffff;
	v62 =	vadd.f32 v58, v41  }
0xc8: {  	v10 =	vld.idx.msk [tilespmem:v10+s16+$0x0], $0xffff;
	v5 =	vmul.f32 v6, v5;
	v63 =	vmul.f32 v46, v46;
	v12 =	vadd.f32 v59, v12  }
0xc9: {  	v6 =	vld.idx.msk [tilespmem:v55+s11+$0x0], $0xffff;
	v0 =	vadd.f32 v0, v38;
	v38 =	vmul.f32 v13, v13;
	v31 =	vadd.f32 v61, v62  }
0xca: {  	v27 =	vor.u32 v43, v27;
	v8 =	vld.idx.msk [tilespmem:v8+s16+$0x0], $0xffff;
	v41 =	vmul.f32 v14, v14;
	v12 =	vadd.f32 v63, v12  }
0xcb: {  	v0 =	vadd.f32 v5, v0;
	v5 =	vld.idx.msk [tilespmem:v57+s11+$0x0], $0xffff;
	v43 =	vmul.f32 v9, v9;
	v30 =	vadd.f32 v38, v31  }
0xcc: {  	v3 =	vmul.f32 v4, v3;
	v4 =	vld.idx.msk [tilespmem:v7+s16+$0x0], $0xffff;
	v7 =	vadd.f32 v41, v12;
	v12 =	vmul.f32 v60, v60  }
0xcd: {  	v26 =	vor.u32 v42, v26;
	v1 =	vld.idx.msk [tilespmem:v1+s11+$0x0], $0xffff;
	v47 =	vmul.f32 v10, v10;
	v29 =	vadd.f32 v43, v30  }
0xce: {  	v0 =	vadd.f32 v3, v0;
	v3 =	vld.idx.msk [tilespmem:v39+s16+$0x0], $0xffff;
	v7 =	vadd.f32 v12, v7;
	v12 =	vmul.f32 v6, v6  }
0xcf: {  	v2 =	vmul.f32 v2, v11;
	v11 =	vld.idx.msk [tilespmem:v27+s11+$0x0], $0xffff;
	v27 =	vmul.f32 v8, v8;
	v29 =	vadd.f32 v47, v29  }
0xd0: {  	v7 =	vadd.f32 v12, v7;
	v12 =	vmul.f32 v5, v5  }
0xd1: {  	v50 =	vld.idx.msk [tilespmem:v32+s11+$0x0], $0xffff;
	v51 =	vmul.f32 v4, v4;
	v27 =	vadd.f32 v27, v29  }
0xd2: {  	v53 =	vld.idx.msk [tilespmem:v36+s16+$0x0], $0xffff;
	v25 =	vmul.f32 v35, v25;
	v7 =	vadd.f32 v12, v7;
	v12 =	vmul.f32 v1, v1  }
0xd3: {  	v26 =	vld.idx.msk [tilespmem:v26+s11+$0x0], $0xffff;
	v0 =	vadd.f32 v2, v0;
	v54 =	vmul.f32 v3, v3;
	v27 =	vadd.f32 v51, v27  }
0xd4: {  	v55 =	vmul.f32 v48, v48;
	v7 =	vadd.f32 v12, v7;
	v12 =	vmul.f32 v11, v11  }
0xd5: {  	v0 =	vadd.f32 v25, v0;
	v25 =	vmul.f32 v49, v34;
	v27 =	vadd.f32 v54, v27  }
0xd6: {  	v7 =	vadd.f32 v12, v7;
	v12 =	vmul.f32 v50, v50  }
0xd7: {  	v0 =	vadd.f32 v25, v0;
	v25 =	vmul.f32 v53, v53;
	v27 =	vadd.f32 v55, v27  }
0xd8: {  	v56 =	vmul.f32 v52, v45;
	v7 =	vadd.f32 v12, v7;
	v12 =	vmul.f32 v26, v26  }
0xd9: {  	v25 =	vadd.f32 v25, v27  }
0xda: {  	v0 =	vadd.f32 v56, v0;
	v27 =	vmul.f32 v46, v44;
	v7 =	vadd.f32 v12, v7  }
0xdb: {  	v12 =	vmax.f32 v25, $1.000000020e-24  }
0xdc: {  	v0 =	vadd.f32 v27, v0;
	v25 =	vshra.s32 v12, $0x1;
	v7 =	vmax.f32 v7, $1.000000020e-24  }
0xdd: {  	v12 =	vmul.f32 $5.000000000e-01, v12;
	v27 =	vshra.s32 v7, $0x1;
	v7 =	vmul.f32 $5.000000000e-01, v7  }
0xde: {  	v13 =	vmul.f32 v14, v13;
	v14 =	vsub.s32 $0x5F3759DF, v25;
	v25 =	vsub.s32 $0x5F3759DF, v27  }
0xdf: {  	v27 =	vmul.f32 v14, v12;
	v57 =	vmul.f32 v25, v7  }
0xe0: {  	v9 =	vmul.f32 v60, v9;
	v0 =	vadd.f32 v13, v0  }
0xe1: {  	v13 =	vmul.f32 v14, v27;
	v27 =	vmul.f32 v25, v57  }
0xe2: {  	v6 =	vmul.f32 v6, v10;
	v0 =	vadd.f32 v9, v0  }
0xe3: {  	v9 =	vsub.f32 $1.500000000e+00, v13;
	v10 =	vsub.f32 $1.500000000e+00, v27  }
0xe4: {  	v5 =	vmul.f32 v5, v8;
	v0 =	vadd.f32 v6, v0  }
0xe5: {  	v6 =	vmul.f32 v14, v9;
	v8 =	vmul.f32 v25, v10  }
0xe6: {  	v1 =	vmul.f32 v1, v4;
	v0 =	vadd.f32 v5, v0  }
0xe7: {  	v4 =	vmul.f32 v6, v12;
	v5 =	vmul.f32 v8, v7  }
0xe8: {  	v58 =	vmul.f32 v11, v3;
	v0 =	vadd.f32 v1, v0  }
0xe9: {  	v3 =	vmul.f32 v4, v6;
	v4 =	vmul.f32 v5, v8  }
0xea: {  	v0 =	vadd.f32 v58, v0  }
0xeb: {  	v59 =	vmul.f32 v50, v48;
	v60 =	vsub.f32 $1.500000000e+00, v3;
	v3 =	vsub.f32 $1.500000000e+00, v4  }
0xec: {  	v4 =	vmul.f32 v26, v53  }
0xed: {  	v63 =	vld [tilespmem:$0x1FF00];
	v0 =	vadd.f32 v59, v0;
	v61 =	vmul.f32 v60, v6;
	v62 =	vmul.f32 v3, v8;
	_ =	sdelay $0x1  }
0xee: {  	s26 =	sadd.s32 $0x1, s26;
	v0 =	vadd.f32 v4, v0;
	v1 =	vmul.f32 v62, v61  }
0xef: {  	p0 =	sne.s32 s26, $0x10  }
.Ltmp2:
0xf0: {  	v11 =	vld [tilespmem:$0x1FFB0];
	v0 =	vmul.f32 v1, v0;
	(pc) =	sbr.rel @p0 .LBB2_4-.Ltmp2, $4  }
0xf1: {  	v10 =	vld [tilespmem:$0x1FFE0]  }
0xf2: {  	v7 =	vld [tilespmem:$0x1FFA0];
	v0 =	vsub.f32 $1.000000000e+00, v0  }
0xf3: {  	v13 =	vmovc v22;
	v22 =	vmov v18;
	v25 =	vmov v20;
	v12 =	vmov v21;
	v6 =	vld [tilespmem:$0x1FFD0]  }
0xf4: {  	v9 =	vmovc v23;
	v21 =	vmovc v24;
	v23 =	vmov v15;
	v24 =	vmov v17;
	v5 =	vlaneseq.u32;
	v8 =	vld [tilespmem:$0x1FFC0];
	[tilespmem:v63+s21+$0x0] =	vst.idx.msk $0xffff, v0  }
0xf5: {  	_ =	swait.ge [sflag:s22], $0x8000  }
0xf6: {  	[sflag:s22] =	ssyncset.done $0x0  }
0xf7: {  	[sflag:s22] =	ssyncadd.s32 $0xFFFF8000  }
0xf8: {  	_ =	swait.ge [sflag:s23], $0x4000  }
0xf9: {  	[sflag:s23] =	ssyncset.done $0x0  }
0xfa: {  	s25 =	simm.s32 $0x0;
	s26 =	simm.s32 $0x0;
	[sflag:s23] =	ssyncadd.s32 $0xFFFFC000  }
.LBB2_8:
0xfb: {  	s28 =	sshll.u32 s26, $0x4  }
0xfc: {  	s29 =	sand.u32 $0xF0, s28  }
0xfd: {  	v0 =	vld [tilespmem:s29+$0x100];
	_ =	sdelay $0x3  }
0xfe: {  	v2 =	vmov s28;
	v1 =	vor.u32 s28, v5  }
0xff: {  	[tilespmem:$0x1FEF0] =	vst v2;
	v2 =	vshll.u32 v2, $0x3;
	v3 =	vshll.u32 v1, $0x7;
	v0 =	vshll.u32 v0, $0x6  }
0x100: {  	v1 =	vand.u32 $0x7F, v1;
	v2 =	vand.u32 $0x400, v2;
	v0 =	vand.u32 $0x40, v0  }
0x101: {  	v34 =	vor.u32 v3, v0;
	v0 =	vor.u32 v2, v1;
	v1 =	vld [tilespmem:$0x1FF10];
	_ =	sdelay $0x4  }
0x102: {  	v33 =	vor.u32 v1, v0;
	v1 =	vld [tilespmem:$0x1FF20];
	_ =	sdelay $0x4  }
0x103: {  	v31 =	vor.u32 v1, v0;
	v1 =	vld [tilespmem:$0x1FF30];
	_ =	sdelay $0x4  }
0x104: {  	v30 =	vor.u32 v1, v0;
	v1 =	vld [tilespmem:$0x1FF40];
	_ =	sdelay $0x4  }
0x105: {  	v29 =	vor.u32 v1, v0;
	v1 =	vld [tilespmem:$0x1FF50];
	_ =	sdelay $0x4  }
0x106: {  	v28 =	vor.u32 v1, v0;
	v1 =	vld [tilespmem:$0x1FF60];
	_ =	sdelay $0x1  }
0x107: {  	v38 =	vimm.f32 $0.0e+00  }
0x108: {  	v4 =	vadd.s32 s25, v7;
	v7 =	vadd.s32 s25, v23;
	v17 =	vmovc v12;
	v12 =	vadd.s32 s25, v12  }
0x109: {  	v18 =	vmovc v13;
	v13 =	vadd.s32 s25, v13;
	v14 =	vmov s25;
	v36 =	vadd.s32 s25, v25  }
0x10a: {  	v49 =	vand.u32 $0x3F, v4;
	v47 =	vshll.u32 v4, $0x8;
	v27 =	vor.u32 v1, v0;
	v1 =	vld [tilespmem:$0x1FF70]  }
0x10b: {  	v61 =	vand.u32 $0x3F, v7;
	v57 =	vshll.u32 v7, $0x8;
	v63 =	vand.u32 $0x3F, v13  }
0x10c: {  	v4 =	vshll.u32 v12, $0x8;
	v7 =	vshll.u32 v14, $0x8;
	v2 =	vadd.s32 s25, v8  }
0x10d: {  	v3 =	vadd.s32 s25, v19;
	v8 =	vadd.s32 s25, v24;
	v19 =	vmovc v9;
	v9 =	vadd.s32 s25, v9  }
0x10e: {  	v35 =	vor.u32 v5, v34;
	v5 =	vadd.s32 s25, v11;
	v11 =	vadd.s32 s25, v21  }
0x10f: {  	v41 =	vand.u32 $0x3F, v2;
	v43 =	vshll.u32 v2, $0x8;
	v32 =	vor.u32 v1, v0;
	v1 =	vld [tilespmem:$0x1FF80]  }
0x110: {  	v60 =	vand.u32 $0x3F, v8;
	v62 =	vand.u32 $0x3F, v3;
	v48 =	vshll.u32 v3, $0x8  }
0x111: {  	v46 =	vshll.u32 v8, $0x8;
	v58 =	vand.u32 $0x3F, v9;
	v59 =	vshll.u32 v9, $0x8  }
0x112: {  	v3 =	vand.u32 $0x3F, v12;
	v2 =	vshll.u32 v13, $0x8;
	v45 =	vor.u32 s25, v35  }
0x113: {  	v44 =	vand.u32 $0x3F, v5;
	v54 =	vand.u32 $0x3F, v11;
	v52 =	vshll.u32 v11, $0x8  }
0x114: {  	v43 =	vand.u32 $0x3800, v43;
	v26 =	vor.u32 v1, v0;
	v0 =	vadd.s32 s25, v6  }
0x115: {  	v1 =	vadd.s32 s25, v10;
	v6 =	vadd.s32 s25, v22;
	v10 =	vadd.s32 s25, v16  }
0x116: {  	v39 =	vand.u32 $0x3F, v1;
	v37 =	vand.u32 $0x3F, v0;
	v0 =	vshll.u32 v0, $0x8  }
0x117: {  	v15 =	vld [tilespmem:$0x1FF90];
	v40 =	vshll.u32 v1, $0x8;
	v1 =	vshll.u32 v5, $0x8;
	v56 =	vand.u32 $0x3F, v6  }
0x118: {  	v51 =	vshll.u32 v6, $0x8;
	v55 =	vand.u32 $0x3F, v10;
	v53 =	vshll.u32 v10, $0x8  }
0x119: {  	v5 =	vand.u32 $0x3F, v36;
	v6 =	vshll.u32 v36, $0x8;
	v37 =	vor.u32 v37, v34  }
0x11a: {  	v36 =	vor.u32 v39, v34;
	v42 =	vand.u32 $0x3800, v40;
	v39 =	vor.u32 v41, v34  }
0x11b: {  	v20 =	vmovc v16;
	s28 =	simm.s32 $0x10;
	v16 =	vmovc v25;
	v50 =	vand.u32 $0x3800, v0;
	v41 =	vimm.f32 $0.0e+00;
	v40 =	vimm.f32 $0.0e+00  }
.LBB2_9:
0x11c: {  	v0 =	vor.u32 v15, v7;
	v44 =	vor.u32 v44, v34;
	v1 =	vand.u32 $0x3800, v1  }
0x11d: {  	v49 =	vor.u32 v49, v34;
	v7 =	vand.u32 $0x3800, v47;
	v8 =	vor.u32 v62, v34  }
0x11e: {  	v9 =	vand.u32 $0x3800, v48;
	v5 =	vor.u32 v5, v34;
	v0 =	vand.u32 $0x3800, v0  }
0x11f: {  	v6 =	vand.u32 $0x3800, v6;
	v10 =	vor.u32 v60, v34;
	v0 =	vor.u32 v0, v33  }
0x120: {  	v11 =	vor.u32 v61, v34;
	v12 =	vand.u32 $0x3800, v46;
	v60 =	vor.u32 v63, v34  }
0x121: {  	v3 =	vor.u32 v3, v34;
	v4 =	vand.u32 $0x3800, v4;
	v6 =	vor.u32 v6, v31  }
0x122: {  	v13 =	vand.u32 $0x3800, v57;
	v14 =	vld.idx.msk [tilespmem:v45+s18+$0x0], $0xffff;
	v45 =	vor.u32 v56, v34;
	v46 =	vand.u32 $0x3800, v51  }
0x123: {  	v2 =	vand.u32 $0x3800, v2;
	v48 =	vor.u32 v54, v34;
	v4 =	vor.u32 v4, v30;
	v5 =	vld.idx.msk [tilespmem:v5+s18+$0x0], $0xffff  }
0x124: {  	v51 =	vor.u32 v55, v34;
	v52 =	vand.u32 $0x3800, v52;
	v61 =	vor.u32 v58, v34;
	v0 =	vld.idx.msk [tilespmem:v0+s12+$0x0], $0xffff  }
0x125: {  	v62 =	vand.u32 $0x3800, v59;
	v53 =	vand.u32 $0x3800, v53;
	v2 =	vor.u32 v2, v29;
	v47 =	vld.idx.msk [tilespmem:v60+s18+$0x0], $0xffff  }
0x126: {  	v50 =	vor.u32 v50, v32;
	v42 =	vor.u32 v42, v26;
	v43 =	vor.u32 v43, v27;
	v6 =	vld.idx.msk [tilespmem:v6+s12+$0x0], $0xffff  }
0x127: {  	v55 =	vor.u32 v62, v28;
	v7 =	vor.u32 v7, v29;
	v1 =	vor.u32 v1, v28;
	v3 =	vld.idx.msk [tilespmem:v3+s18+$0x0], $0xffff  }
0x128: {  	v53 =	vor.u32 v53, v27;
	v12 =	vor.u32 v12, v31;
	v9 =	vor.u32 v9, v30;
	v4 =	vld.idx.msk [tilespmem:v4+s12+$0x0], $0xffff  }
0x129: {  	v46 =	vor.u32 v46, v26;
	v13 =	vor.u32 v13, v33;
	v54 =	vld.idx.msk [tilespmem:v61+s18+$0x0], $0xffff;
	v63 =	vmul.f32 v0, v14  }
0x12a: {  	v52 =	vor.u32 v52, v32;
	v2 =	vld.idx.msk [tilespmem:v2+s12+$0x0], $0xffff;
	v56 =	vmul.f32 v47, v47;
	v0 =	vmul.f32 v0, v0  }
0x12b: {  	v61 =	vld.idx.msk [tilespmem:v51+s18+$0x0], $0xffff;
	v60 =	vmul.f32 v6, v5;
	v14 =	vmul.f32 v14, v14;
	v38 =	vadd.f32 v63, v38  }
0x12c: {  	v55 =	vld.idx.msk [tilespmem:v55+s12+$0x0], $0xffff;
	v5 =	vmul.f32 v5, v5;
	v6 =	vmul.f32 v6, v6;
	v0 =	vadd.f32 v0, v40  }
0x12d: {  	v11 =	vld.idx.msk [tilespmem:v11+s18+$0x0], $0xffff;
	v62 =	vmul.f32 v4, v3;
	v14 =	vadd.f32 v14, v41;
	v38 =	vadd.f32 v60, v38  }
0x12e: {  	v3 =	vmul.f32 v3, v3;
	v4 =	vmul.f32 v4, v4;
	v63 =	vld.idx.msk [tilespmem:v53+s12+$0x0], $0xffff;
	v0 =	vadd.f32 v6, v0  }
0x12f: {  	v57 =	vld.idx.msk [tilespmem:v52+s12+$0x0], $0xffff;
	v53 =	vmul.f32 v2, v47;
	v5 =	vadd.f32 v5, v14;
	v14 =	vadd.f32 v62, v38  }
0x130: {  	v58 =	vmul.f32 v54, v54;
	v2 =	vmul.f32 v2, v2;
	v6 =	vld.idx.msk [tilespmem:v48+s18+$0x0], $0xffff;
	v0 =	vadd.f32 v4, v0  }
0x131: {  	v59 =	vld.idx.msk [tilespmem:v46+s12+$0x0], $0xffff;
	v3 =	vadd.f32 v3, v5;
	v5 =	vadd.f32 v53, v14;
	v14 =	vmul.f32 v55, v54  }
0x132: {  	v40 =	vmul.f32 v61, v61;
	v4 =	vld.idx.msk [tilespmem:v45+s18+$0x0], $0xffff;
	v0 =	vadd.f32 v2, v0;
	v2 =	vmul.f32 v55, v55  }
0x133: {  	v10 =	vld.idx.msk [tilespmem:v10+s18+$0x0], $0xffff;
	v3 =	vadd.f32 v56, v3;
	v5 =	vadd.f32 v14, v5;
	v14 =	vmul.f32 v63, v61  }
0x134: {  	v13 =	vld.idx.msk [tilespmem:v13+s12+$0x0], $0xffff;
	v45 =	vor.u32 s28, v35;
	v0 =	vadd.f32 v2, v0;
	v2 =	vmul.f32 v63, v63  }
0x135: {  	v8 =	vld.idx.msk [tilespmem:v8+s18+$0x0], $0xffff;
	v3 =	vadd.f32 v58, v3;
	v5 =	vadd.f32 v14, v5;
	v14 =	vmul.f32 v57, v6  }
0x136: {  	v12 =	vld.idx.msk [tilespmem:v12+s12+$0x0], $0xffff;
	v6 =	vmul.f32 v6, v6;
	v0 =	vadd.f32 v2, v0;
	v2 =	vmul.f32 v57, v57  }
0x137: {  	v9 =	vld.idx.msk [tilespmem:v9+s12+$0x0], $0xffff;
	v3 =	vadd.f32 v40, v3;
	v5 =	vadd.f32 v14, v5;
	v14 =	vmul.f32 v59, v4  }
0x138: {  	v7 =	vld.idx.msk [tilespmem:v7+s12+$0x0], $0xffff;
	v4 =	vmul.f32 v4, v4;
	v0 =	vadd.f32 v2, v0;
	v2 =	vmul.f32 v59, v59  }
0x139: {  	v3 =	vadd.f32 v6, v3;
	v6 =	vld.idx.msk [tilespmem:v49+s18+$0x0], $0xffff;
	v5 =	vadd.f32 v14, v5;
	v14 =	vmul.f32 v13, v11  }
0x13a: {  	v11 =	vmul.f32 v11, v11;
	v0 =	vadd.f32 v2, v0;
	v2 =	vmul.f32 v13, v13  }
0x13b: {  	v3 =	vadd.f32 v4, v3;
	v13 =	vmul.f32 v12, v10;
	v10 =	vmul.f32 v10, v10  }
0x13c: {  	v5 =	vadd.f32 v14, v5;
	v0 =	vadd.f32 v2, v0;
	v2 =	vmul.f32 v12, v12  }
0x13d: {  	v3 =	vadd.f32 v11, v3;
	v12 =	vmul.f32 v9, v8;
	v8 =	vmul.f32 v8, v8  }
0x13e: {  	v1 =	vld.idx.msk [tilespmem:v1+s12+$0x0], $0xffff;
	v11 =	vadd.s32 s28, v21;
	v14 =	vmov s28;
	v62 =	vmul.f32 v7, v6  }
0x13f: {  	v4 =	vld.idx.msk [tilespmem:v44+s18+$0x0], $0xffff;
	v6 =	vmul.f32 v6, v6;
	v54 =	vand.u32 $0x3F, v11;
	v5 =	vadd.f32 v13, v5  }
0x140: {  	v52 =	vshll.u32 v11, $0x8;
	v3 =	vadd.f32 v10, v3;
	v0 =	vadd.f32 v2, v0  }
0x141: {  	v60 =	vld.idx.msk [tilespmem:v39+s18+$0x0], $0xffff;
	v2 =	vmul.f32 v9, v9;
	v9 =	vadd.s32 s28, v19;
	v10 =	vadd.s32 s28, v20  }
0x142: {  	v13 =	vld.idx.msk [tilespmem:v43+s12+$0x0], $0xffff;
	v55 =	vand.u32 $0x3F, v10;
	v53 =	vshll.u32 v10, $0x8;
	v58 =	vand.u32 $0x3F, v9  }
0x143: {  	v61 =	vld.idx.msk [tilespmem:v37+s18+$0x0], $0xffff;
	v59 =	vshll.u32 v9, $0x8;
	v5 =	vadd.f32 v12, v5;
	v3 =	vadd.f32 v8, v3  }
0x144: {  	v12 =	vld.idx.msk [tilespmem:v50+s12+$0x0], $0xffff;
	v0 =	vadd.f32 v2, v0;
	v2 =	vmul.f32 v7, v7;
	v8 =	vmul.f32 v1, v4  }
0x145: {  	v4 =	vmul.f32 v4, v4;
	v1 =	vmul.f32 v1, v1;
	v5 =	vadd.f32 v62, v5  }
0x146: {  	v7 =	vld.idx.msk [tilespmem:v36+s18+$0x0], $0xffff;
	v36 =	vadd.s32 s28, v16;
	v3 =	vadd.f32 v6, v3;
	v0 =	vadd.f32 v2, v0  }
0x147: {  	v63 =	vld.idx.msk [tilespmem:v42+s12+$0x0], $0xffff;
	v6 =	vmul.f32 v60, v60;
	v2 =	vadd.f32 v8, v5;
	v5 =	vmul.f32 v13, v60  }
0x148: {  	v3 =	vadd.f32 v4, v3;
	v0 =	vadd.f32 v1, v0;
	v1 =	vmul.f32 v13, v13  }
0x149: {  	v8 =	vadd.s32 s28, v24;
	v13 =	vadd.s32 s28, v18;
	v4 =	vmul.f32 v12, v61  }
0x14a: {  	v2 =	vadd.f32 v5, v2;
	v5 =	vmul.f32 v61, v61;
	v3 =	vadd.f32 v6, v3  }
0x14b: {  	v60 =	vand.u32 $0x3F, v8;
	v0 =	vadd.f32 v1, v0;
	v1 =	vmul.f32 v12, v12  }
0x14c: {  	v2 =	vadd.f32 v4, v2;
	v4 =	vmul.f32 v63, v7;
	v3 =	vadd.f32 v5, v3;
	v5 =	vld [tilespmem:$0x1FFD0]  }
0x14d: {  	v6 =	vmul.f32 v7, v7;
	v0 =	vadd.f32 v1, v0;
	v1 =	vmul.f32 v63, v63;
	v7 =	vld [tilespmem:$0x1FFE0]  }
0x14e: {  	v46 =	vshll.u32 v8, $0x8;
	v12 =	vadd.s32 s28, v17;
	v38 =	vadd.f32 v4, v2;
	v2 =	vld [tilespmem:$0x1FFC0]  }
0x14f: {  	v41 =	vadd.f32 v6, v3;
	v40 =	vadd.f32 v1, v0;
	v0 =	vld [tilespmem:$0x1FFF0];
	v6 =	vadd.s32 s28, v23  }
0x150: {  	v63 =	vand.u32 $0x3F, v13;
	v1 =	vld [tilespmem:$0x1FFA0];
	v4 =	vadd.s32 s28, v22;
	v61 =	vand.u32 $0x3F, v6  }
0x151: {  	v3 =	vld [tilespmem:$0x1FFB0];
	v57 =	vshll.u32 v6, $0x8;
	v56 =	vand.u32 $0x3F, v4;
	v51 =	vshll.u32 v4, $0x8  }
0x152: {  	v4 =	vshll.u32 v12, $0x8;
	v5 =	vadd.s32 s28, v5;
	v7 =	vadd.s32 s28, v7  }
0x153: {  	v6 =	vshll.u32 v36, $0x8;
	v39 =	vand.u32 $0x3F, v7;
	v37 =	vand.u32 $0x3F, v5  }
0x154: {  	v50 =	vshll.u32 v5, $0x8;
	v42 =	vshll.u32 v7, $0x8;
	v7 =	vshll.u32 v14, $0x8  }
0x155: {  	v5 =	vand.u32 $0x3F, v36;
	v2 =	vadd.s32 s28, v2;
	v0 =	vadd.s32 s28, v0  }
0x156: {  	p0 =	sne.s32 s28, $0x30;
	v1 =	vadd.s32 s28, v1;
	v3 =	vadd.s32 s28, v3;
	v37 =	vor.u32 v37, v34  }
.Ltmp3:
0x157: {  	v36 =	vor.u32 v39, v34;
	v42 =	vand.u32 $0x3800, v42;
	v50 =	vand.u32 $0x3800, v50;
	(pc) =	sbr.rel @p0 .LBB2_9-.Ltmp3, $4  }
0x158: {  	v44 =	vand.u32 $0x3F, v3;
	v43 =	vand.u32 $0x3F, v2;
	v25 =	vshll.u32 v2, $0x8  }
0x159: {  	v49 =	vand.u32 $0x3F, v1;
	v47 =	vshll.u32 v1, $0x8;
	v1 =	vshll.u32 v3, $0x8  }
0x15a: {  	v62 =	vand.u32 $0x3F, v0;
	v48 =	vshll.u32 v0, $0x8;
	v3 =	vand.u32 $0x3F, v12  }
0x15b: {  	s28 =	sadd.s32 $0x10, s28;
	v2 =	vshll.u32 v13, $0x8;
	v39 =	vor.u32 v43, v34;
	v43 =	vand.u32 $0x3800, v25  }
0x15c: {  	v0 =	vor.u32 v15, v7  }
0x15d: {  	v0 =	vand.u32 $0x3800, v0  }
0x15e: {  	v0 =	vor.u32 v0, v33  }
0x15f: {  	v5 =	vor.u32 v5, v34;
	v6 =	vand.u32 $0x3800, v6  }
0x160: {  	v3 =	vor.u32 v3, v34;
	v6 =	vor.u32 v6, v31  }
0x161: {  	v4 =	vand.u32 $0x3800, v4;
	v9 =	vld.idx.msk [tilespmem:v45+s18+$0x0], $0xffff;
	v35 =	vand.u32 $0x3800, v59;
	v48 =	vand.u32 $0x3800, v48  }
0x162: {  	v59 =	vor.u32 v55, v34;
	v4 =	vor.u32 v4, v30;
	v55 =	vor.u32 v48, v30;
	v48 =	vld.idx.msk [tilespmem:v37+s18+$0x0], $0xffff  }
0x163: {  	v7 =	vor.u32 v44, v34;
	v11 =	vor.u32 v63, v34;
	v2 =	vand.u32 $0x3800, v2;
	v0 =	vld.idx.msk [tilespmem:v0+s12+$0x0], $0xffff  }
0x164: {  	v8 =	vor.u32 v49, v34;
	v10 =	vor.u32 v62, v34;
	v2 =	vor.u32 v2, v29;
	v5 =	vld.idx.msk [tilespmem:v5+s18+$0x0], $0xffff  }
0x165: {  	v12 =	vor.u32 v60, v34;
	v13 =	vor.u32 v61, v34;
	v25 =	vor.u32 v58, v34;
	v6 =	vld.idx.msk [tilespmem:v6+s12+$0x0], $0xffff  }
0x166: {  	v14 =	vand.u32 $0x3800, v57;
	v44 =	vor.u32 v56, v34;
	v35 =	vor.u32 v35, v28;
	v3 =	vld.idx.msk [tilespmem:v3+s18+$0x0], $0xffff  }
0x167: {  	v45 =	vor.u32 v54, v34;
	v60 =	vand.u32 $0x3800, v53;
	v61 =	vmul.f32 v9, v9;
	v4 =	vld.idx.msk [tilespmem:v4+s12+$0x0], $0xffff  }
0x168: {  	v52 =	vand.u32 $0x3800, v52;
	v49 =	vor.u32 v60, v27;
	v11 =	vld.idx.msk [tilespmem:v11+s18+$0x0], $0xffff;
	v62 =	vmul.f32 v0, v0  }
0x169: {  	v14 =	vor.u32 v14, v33;
	v2 =	vld.idx.msk [tilespmem:v2+s12+$0x0], $0xffff;
	v41 =	vadd.f32 v61, v41;
	v63 =	vmul.f32 v5, v5  }
0x16a: {  	v52 =	vor.u32 v52, v32;
	v25 =	vld.idx.msk [tilespmem:v25+s18+$0x0], $0xffff;
	v56 =	vmul.f32 v6, v6;
	v33 =	vadd.f32 v62, v40  }
0x16b: {  	v51 =	vand.u32 $0x3800, v51;
	v35 =	vld.idx.msk [tilespmem:v35+s12+$0x0], $0xffff;
	v57 =	vmul.f32 v3, v3;
	v41 =	vadd.f32 v63, v41  }
0x16c: {  	v51 =	vor.u32 v51, v26;
	v34 =	vld.idx.msk [tilespmem:v59+s18+$0x0], $0xffff;
	v58 =	vmul.f32 v4, v4;
	v33 =	vadd.f32 v56, v33  }
0x16d: {  	v49 =	vld.idx.msk [tilespmem:v49+s12+$0x0], $0xffff;
	v59 =	vmul.f32 v11, v11;
	v41 =	vadd.f32 v57, v41  }
0x16e: {  	v1 =	vand.u32 $0x3800, v1;
	v45 =	vld.idx.msk [tilespmem:v45+s18+$0x0], $0xffff;
	v60 =	vmul.f32 v2, v2;
	v33 =	vadd.f32 v58, v33  }
0x16f: {  	v46 =	vand.u32 $0x3800, v46;
	v52 =	vld.idx.msk [tilespmem:v52+s12+$0x0], $0xffff;
	v61 =	vmul.f32 v25, v25;
	v41 =	vadd.f32 v59, v41  }
0x170: {  	v44 =	vld.idx.msk [tilespmem:v44+s18+$0x0], $0xffff;
	v63 =	vmul.f32 v35, v35;
	v62 =	vor.u32 v46, v31;
	v33 =	vadd.f32 v60, v33  }
0x171: {  	v47 =	vand.u32 $0x3800, v47;
	v54 =	vmul.f32 v34, v34;
	v46 =	vld.idx.msk [tilespmem:v51+s12+$0x0], $0xffff;
	v41 =	vadd.f32 v61, v41  }
0x172: {  	v32 =	vor.u32 v50, v32;
	v13 =	vld.idx.msk [tilespmem:v13+s18+$0x0], $0xffff;
	v56 =	vmul.f32 v49, v49;
	v33 =	vadd.f32 v63, v33  }
0x173: {  	v14 =	vld.idx.msk [tilespmem:v14+s12+$0x0], $0xffff;
	v0 =	vmul.f32 v0, v9;
	v58 =	vmul.f32 v45, v45;
	v41 =	vadd.f32 v54, v41  }
0x174: {  	v9 =	vld.idx.msk [tilespmem:v12+s18+$0x0], $0xffff;
	v57 =	vor.u32 v47, v29;
	v59 =	vmul.f32 v52, v52;
	v12 =	vadd.f32 v56, v33  }
0x175: {  	v1 =	vor.u32 v1, v28;
	v61 =	vmul.f32 v44, v44;
	v60 =	vld.idx.msk [tilespmem:v62+s12+$0x0], $0xffff;
	v62 =	vadd.f32 v58, v41  }
0x176: {  	v10 =	vld.idx.msk [tilespmem:v10+s18+$0x0], $0xffff;
	v5 =	vmul.f32 v6, v5;
	v63 =	vmul.f32 v46, v46;
	v12 =	vadd.f32 v59, v12  }
0x177: {  	v6 =	vld.idx.msk [tilespmem:v55+s12+$0x0], $0xffff;
	v0 =	vadd.f32 v0, v38;
	v38 =	vmul.f32 v13, v13;
	v31 =	vadd.f32 v61, v62  }
0x178: {  	v27 =	vor.u32 v43, v27;
	v8 =	vld.idx.msk [tilespmem:v8+s18+$0x0], $0xffff;
	v41 =	vmul.f32 v14, v14;
	v12 =	vadd.f32 v63, v12  }
0x179: {  	v0 =	vadd.f32 v5, v0;
	v43 =	vmul.f32 v9, v9;
	v5 =	vld.idx.msk [tilespmem:v57+s12+$0x0], $0xffff;
	v30 =	vadd.f32 v38, v31  }
0x17a: {  	v3 =	vmul.f32 v4, v3;
	v4 =	vld.idx.msk [tilespmem:v7+s18+$0x0], $0xffff;
	v7 =	vadd.f32 v41, v12;
	v12 =	vmul.f32 v60, v60  }
0x17b: {  	v26 =	vor.u32 v42, v26;
	v1 =	vld.idx.msk [tilespmem:v1+s12+$0x0], $0xffff;
	v47 =	vmul.f32 v10, v10;
	v29 =	vadd.f32 v43, v30  }
0x17c: {  	v0 =	vadd.f32 v3, v0;
	v3 =	vld.idx.msk [tilespmem:v39+s18+$0x0], $0xffff;
	v7 =	vadd.f32 v12, v7;
	v12 =	vmul.f32 v6, v6  }
0x17d: {  	v2 =	vmul.f32 v2, v11;
	v11 =	vld.idx.msk [tilespmem:v27+s12+$0x0], $0xffff;
	v27 =	vmul.f32 v8, v8;
	v29 =	vadd.f32 v47, v29  }
0x17e: {  	v7 =	vadd.f32 v12, v7;
	v12 =	vmul.f32 v5, v5  }
0x17f: {  	v50 =	vld.idx.msk [tilespmem:v32+s12+$0x0], $0xffff;
	v51 =	vmul.f32 v4, v4;
	v27 =	vadd.f32 v27, v29  }
0x180: {  	v53 =	vld.idx.msk [tilespmem:v36+s18+$0x0], $0xffff;
	v25 =	vmul.f32 v35, v25;
	v7 =	vadd.f32 v12, v7;
	v12 =	vmul.f32 v1, v1  }
0x181: {  	v26 =	vld.idx.msk [tilespmem:v26+s12+$0x0], $0xffff;
	v0 =	vadd.f32 v2, v0;
	v54 =	vmul.f32 v3, v3;
	v27 =	vadd.f32 v51, v27  }
0x182: {  	v55 =	vmul.f32 v48, v48;
	v7 =	vadd.f32 v12, v7;
	v12 =	vmul.f32 v11, v11  }
0x183: {  	v0 =	vadd.f32 v25, v0;
	v25 =	vmul.f32 v49, v34;
	v27 =	vadd.f32 v54, v27  }
0x184: {  	v7 =	vadd.f32 v12, v7;
	v12 =	vmul.f32 v50, v50  }
0x185: {  	v0 =	vadd.f32 v25, v0;
	v25 =	vmul.f32 v53, v53;
	v27 =	vadd.f32 v55, v27  }
0x186: {  	v56 =	vmul.f32 v52, v45;
	v7 =	vadd.f32 v12, v7;
	v12 =	vmul.f32 v26, v26  }
0x187: {  	v25 =	vadd.f32 v25, v27  }
0x188: {  	v0 =	vadd.f32 v56, v0;
	v27 =	vmul.f32 v46, v44;
	v7 =	vadd.f32 v12, v7  }
0x189: {  	v12 =	vmax.f32 v25, $1.000000020e-24  }
0x18a: {  	v0 =	vadd.f32 v27, v0;
	v25 =	vshra.s32 v12, $0x1;
	v7 =	vmax.f32 v7, $1.000000020e-24  }
0x18b: {  	v12 =	vmul.f32 $5.000000000e-01, v12;
	v27 =	vshra.s32 v7, $0x1;
	v7 =	vmul.f32 $5.000000000e-01, v7  }
0x18c: {  	v13 =	vmul.f32 v14, v13;
	v14 =	vsub.s32 $0x5F3759DF, v25;
	v25 =	vsub.s32 $0x5F3759DF, v27  }
0x18d: {  	v27 =	vmul.f32 v14, v12;
	v57 =	vmul.f32 v25, v7  }
0x18e: {  	v9 =	vmul.f32 v60, v9;
	v0 =	vadd.f32 v13, v0  }
0x18f: {  	v13 =	vmul.f32 v14, v27;
	v27 =	vmul.f32 v25, v57  }
0x190: {  	v0 =	vadd.f32 v9, v0  }
0x191: {  	v6 =	vmul.f32 v6, v10;
	v9 =	vsub.f32 $1.500000000e+00, v13;
	v10 =	vsub.f32 $1.500000000e+00, v27  }
0x192: {  	v5 =	vmul.f32 v5, v8  }
0x193: {  	v0 =	vadd.f32 v6, v0;
	v6 =	vmul.f32 v14, v9;
	v8 =	vmul.f32 v25, v10  }
0x194: {  	v1 =	vmul.f32 v1, v4  }
0x195: {  	v0 =	vadd.f32 v5, v0;
	v4 =	vmul.f32 v6, v12;
	v5 =	vmul.f32 v8, v7  }
0x196: {  	v58 =	vmul.f32 v11, v3  }
0x197: {  	v3 =	vmul.f32 v4, v6;
	v4 =	vmul.f32 v5, v8  }
0x198: {  	v0 =	vadd.f32 v1, v0  }
0x199: {  	v60 =	vsub.f32 $1.500000000e+00, v3;
	v3 =	vsub.f32 $1.500000000e+00, v4;
	_ =	sdelay $0x1  }
0x19a: {  	v59 =	vmul.f32 v50, v48;
	v0 =	vadd.f32 v58, v0;
	v62 =	vmul.f32 v3, v8;
	v3 =	vld [tilespmem:$0x1FEF0];
	_ =	sdelay $0x1  }
0x19b: {  	v0 =	vadd.f32 v59, v0;
	v4 =	vmul.f32 v26, v53;
	v61 =	vmul.f32 v60, v6  }
0x19c: {  	v5 =	vlaneseq.u32  }
0x19d: {  	s26 =	sadd.s32 $0x1, s26;
	v63 =	vor.u32 $0x100, v5;
	v0 =	vadd.f32 v4, v0;
	v1 =	vmul.f32 v62, v61  }
0x19e: {  	p0 =	sne.s32 s26, $0x10;
	v11 =	vld [tilespmem:$0x1FFB0];
	v2 =	vor.u32 v63, v3  }
.Ltmp4:
0x19f: {  	v10 =	vld [tilespmem:$0x1FFE0];
	v0 =	vmul.f32 v1, v0;
	(pc) =	sbr.rel @p0 .LBB2_8-.Ltmp4, $4  }
0x1a0: {  	v9 =	vmov v19;
	v19 =	vld [tilespmem:$0x1FFF0]  }
0x1a1: {  	v7 =	vld [tilespmem:$0x1FFA0];
	v0 =	vsub.f32 $1.000000000e+00, v0  }
0x1a2: {  	v6 =	vld [tilespmem:$0x1FFD0]  }
0x1a3: {  	v13 =	vmovc v18;
	v25 =	vmov v16;
	v16 =	vmov v20;
	v12 =	vmov v17;
	v8 =	vld [tilespmem:$0x1FFC0];
	[tilespmem:v2+s21+$0x0] =	vst.idx.msk $0xffff, v0  }
0x1a4: {  	s24 =	sadd.s32 $0x1, s24  }
0x1a5: {  	p0 =	sne.s32 s24, s8  }
.Ltmp5:
0x1a6: {  	_ = 	snop;
	(pc) =	sbr.rel @p0 .LBB2_1-.Ltmp5, $4  }
0x1a7: {  	[hbm4b:s7+s1] =	stream.linear.scatter [tilespmem:s21], [sflag:$0x5], $0x200, $0x38;
	[tilespmem:$0x18600] =	vst v63  }
0x1a8: {  	_ =	swait.ge [sflag:s13], $0x200  }
0x1a9: {  	[sflag:s13] =	ssyncset.done $0x0  }
0x1aa: {  	[sflag:s13] =	ssyncadd.s32 $0xFFFFFE00  }
0x1ab: {  	_ =	sfence.sel $0x180000  }
0x1ac: {  	[bflag:$0x0] =	sbarrier.arrive $0xFFFF  }
0x1ad: {  	p0 =	sne.s32 s2, $0x0;
	_ =	strace $0x90000047  }
0x1ae: {  	s0 =	sadd.s32 @!p0 $0x100000, s0;
	[bflag:$0x2] =	sbarrier.arrive $0xFFFF  }
0x1af: {  	[sflag:s0] =	ssyncadd.tile.s32 @!p0 $0x1;
	_ =	shalt  }
.Lfunc_end2:
_tile_overlayer_lowered:
.L_overlay_start_2:
0x1b0: {  	(tag) =	ssettag $0x2  }
0x1b1: {  	s0 =	rddreg [dreg:$0x0];
	s2 =	stileid.u32  }
0x1b2: {  	s1 =	rddreg [dreg:$0x1];
	p0 =	sne.s32 s2, $0x0  }
0x1b3: {  	s3 =	rddreg [dreg:$0x2];
	[bflag:$0x3] =	sbarrier.arrive $0xFFFF;
	s2 =	simm.s32 @!p0 $0x1C05  }
0x1b4: {  	[timem:s3], [sflag:s2] =	dma.local @!p0 [hbm:s0], s1  }
0x1b5: {  	s0 =	simm.s32 @!p0 $0x5  }
0x1b6: {  	_ =	swait.ge @!p0 [sflag:s0], s1  }
0x1b7: {  	s1 =	ssub.s32 @!p0 $0x0, s1;
	[sflag:s0] =	ssyncset.done @!p0 $0x0  }
0x1b8: {  	[sflag:s0] =	ssyncadd.s32 @!p0 s1  }
0x1b9: {  	[bflag:$0x3] =	sbarrier.arrive $0xFFFF  }
0x1ba: {  	_ =	shalt  }

</sc_bundles>
